<compile_context>
chip_gen: v7x
topology: tpu7x:2x2x1
jax: 0.10.2.dev20260603
libtpu: 0.0.44.dev20260713+nightly
codegen_flags: <defaults>
</compile_context>

<pallas_src>
import functools

import jax
import jax.numpy as jnp
from jax import lax
from jax.experimental import pallas as pl
from jax.experimental.pallas import tpu as pltpu
from jax.experimental.pallas import tpu_sc as plsc

_info = plsc.get_sparse_core_info()
_NC, _NS = _info.num_cores, _info.num_subcores
_NW = _NC * _NS

_D = 18432
_SPLIT = 4
_DQ = _D // _SPLIT
_ROWS = 4096
_B_PER_W = _ROWS // _NW
_RCHUNK = 8
_N_RCHUNKS = _B_PER_W // _RCHUNK


def _sc_gather(gidx, oidx, table):
    mesh = plsc.VectorSubcoreMesh(core_axis_name="c", subcore_axis_name="s")

    @functools.partial(
        pl.kernel,
        mesh=mesh,
        out_type=jax.ShapeDtypeStruct((_ROWS, _D), jnp.float32),
        scratch_types=[
            pltpu.VMEM((_B_PER_W,), jnp.int32),
            pltpu.VMEM((_N_RCHUNKS, _RCHUNK), jnp.int32),
            pltpu.VMEM((_RCHUNK, _DQ), jnp.float32),
            pltpu.VMEM((_RCHUNK, _DQ), jnp.float32),
            pltpu.SemaphoreType.DMA,
            pltpu.SemaphoreType.DMA,
            pltpu.SemaphoreType.DMA,
            pltpu.SemaphoreType.DMA,
        ],
    )
    def k(gidx_hbm, oidx_hbm, table_hbm, out_hbm,
          idx_v, oidx_v, buf0, buf1, gs0, gs1, ss0, ss1):
        wid = lax.axis_index("s") * _NC + lax.axis_index("c")
        base = wid * _B_PER_W
        pltpu.sync_copy(gidx_hbm.at[pl.ds(base, _B_PER_W)], idx_v)
        pltpu.sync_copy(oidx_hbm.at[wid], oidx_v)

        def unit_src(c, q):
            return table_hbm.at[
                idx_v.at[pl.ds(c * _RCHUNK, _RCHUNK)], pl.ds(q * _DQ, _DQ)
            ]

        def unit_dst(c, q):
            return out_hbm.at[oidx_v.at[c], pl.ds(q * _DQ, _DQ)]

        pltpu.async_copy(unit_src(0, 0), buf0, gs0)

        def step(c, carry):
            for q in range(_SPLIT):
                cur, nxt = (buf0, buf1) if q % 2 == 0 else (buf1, buf0)
                gs_cur, gs_nxt = (gs0, gs1) if q % 2 == 0 else (gs1, gs0)
                ss_cur, ss_nxt = (ss0, ss1) if q % 2 == 0 else (ss1, ss0)
                if q == 0:
                    @pl.when(c > 0)
                    def _():
                        pltpu.make_async_copy(
                            nxt, unit_dst(c - 1, _SPLIT - 1), ss_nxt
                        ).wait()
                        pltpu.async_copy(unit_src(c, 1), nxt, gs_nxt)

                    @pl.when(c == 0)
                    def _():
                        pltpu.async_copy(unit_src(c, 1), nxt, gs_nxt)
                elif q < _SPLIT - 1:
                    pltpu.make_async_copy(nxt, unit_dst(c, q - 1), ss_nxt).wait()
                    pltpu.async_copy(unit_src(c, q + 1), nxt, gs_nxt)
                else:
                    pltpu.make_async_copy(nxt, unit_dst(c, q - 1), ss_nxt).wait()

                    @pl.when(c + 1 < _N_RCHUNKS)
                    def _():
                        pltpu.async_copy(unit_src(c + 1, 0), nxt, gs_nxt)

                pltpu.make_async_copy(unit_src(c, q), cur, gs_cur).wait()
                pltpu.async_copy(cur, unit_dst(c, q), ss_cur)
            return carry

        lax.fori_loop(0, _N_RCHUNKS, step, 0)
        pltpu.make_async_copy(
            buf1, unit_dst(_N_RCHUNKS - 1, _SPLIT - 1), ss1
        ).wait()

    return k(gidx, oidx, table)


def kernel(prefix, table):
    idx = prefix.reshape(-1).astype(jnp.int32)
    order = jnp.argsort(idx).astype(jnp.int32)
    gidx = jnp.take(idx, order)
    oidx = order.reshape(_NW, _N_RCHUNKS, _RCHUNK)
    out = _sc_gather(gidx, oidx, table)
    return out.reshape(prefix.shape[0], prefix.shape[1], table.shape[1])

# --- scband reference (transcript-rebuilt; emitter-appended) ---
"""Pipeline reference for scband-prefix-encoder-80315888435784 (READ-ONLY COPY).

The authoritative reference and input builder live on the scoring server;
editing this copy changes nothing except your own understanding.
"""

import jax, jax.numpy as jnp
import numpy as np

N_EMB = 64 * 50  # prefix_len * n_cls = 3200
EMB_DIM = 12 * 2 * 768  # num_hidden_layers * 2 * hidden_size = 18432
BATCH = 64
PREFIX_LEN = 64


def setup_inputs(seed: int = 0) -> dict:
    key = jax.random.key(seed)
    k_idx, k_tab = jax.random.split(key)
    prefix = jax.random.randint(k_idx, (BATCH, PREFIX_LEN), 0, N_EMB, dtype=jnp.int64 if jax.config.jax_enable_x64 else jnp.int32)
    table = jax.random.normal(k_tab, (N_EMB, EMB_DIM), dtype=jnp.float32) * 0.02
    return {"prefix": prefix, "table": table}


def reference(prefix, table):
    # prefix_projection=False branch: past_key_values = embedding(prefix)
    past_key_values = jnp.take(table, prefix, axis=0)  # [B, prefix_len, 2*L*H]
    return past_key_values

if __name__ == "__main__":
    import jax
    _d = setup_inputs()
    print(jax.jit(kernel)(*tuple(_d.values())))

</pallas_src>

<mosaic_0001>
#map = affine_map<(d0, d1) -> (0)>
#map1 = affine_map<(d0, d1) -> (0, 0, 0)>
#map2 = affine_map<(d0, d1) -> (0, 0)>
module attributes {stable_mosaic.version = 14 : i64} {
  func.func @k(%arg0: i32, %arg1: i32, %arg2: memref<4096xi32, #tpu.memory_space<hbm>>, %arg3: memref<32x16x8xi32, #tpu.memory_space<hbm>>, %arg4: memref<3200x18432xf32, #tpu.memory_space<hbm>>, %arg5: memref<4096x18432xf32, #tpu.memory_space<hbm>>, %arg6: memref<128xi32, #tpu.memory_space<vmem>>, %arg7: memref<16x8xi32, #tpu.memory_space<vmem>>, %arg8: memref<8x4608xf32, #tpu.memory_space<vmem>>, %arg9: memref<8x4608xf32, #tpu.memory_space<vmem>>, %arg10: memref<!tpu.dma_semaphore, #tpu.memory_space<semaphore_mem>>, %arg11: memref<!tpu.dma_semaphore, #tpu.memory_space<semaphore_mem>>, %arg12: memref<!tpu.dma_semaphore, #tpu.memory_space<semaphore_mem>>, %arg13: memref<!tpu.dma_semaphore, #tpu.memory_space<semaphore_mem>>) attributes {dimension_semantics = [#tpu.dimension_semantics<core_parallel>, #tpu.dimension_semantics<subcore_parallel>], iteration_bounds = array<i64: 2, 16>, scalar_prefetch = 0 : i64, scratch_operands = 8 : i64, tpu.core_type = #tpu.core_type<sc_vector_subcore>, window_params = [{transform_indices = #map}, {transform_indices = #map1}, {transform_indices = #map2}, {transform_indices = #map2}]} {
    %mul3A = arith.constant 2 : i32
    %mul3A_0 = arith.muli %arg1, %mul3A : i32
    %add3A = arith.addi %mul3A_0, %arg0 : i32
    %mul3A_1 = arith.constant 128 : i32
    %mul3A_2 = arith.muli %add3A, %mul3A_1 : i32
    "tpu.region"() ({
      %run_scoped3A = tpu.sem_alloc : memref<!tpu.dma_semaphore, #tpu.memory_space<semaphore_mem>>
      %dma_start3A_18 = tpu.memref_slice %arg2[%mul3A_2] : memref<4096xi32, #tpu.memory_space<hbm>> -> memref<128xi32, #tpu.memory_space<hbm>>
      %dma_start3A_19 = tpu.memref_slice %arg2[%mul3A_2] : memref<4096xi32, #tpu.memory_space<hbm>> -> memref<128xi32, #tpu.memory_space<hbm>>
      tpu.enqueue_dma source(%dma_start3A_19 : memref<128xi32, #tpu.memory_space<hbm>>) target(%arg6 : memref<128xi32, #tpu.memory_space<vmem>>) target_semaphore(%run_scoped3A : memref<!tpu.dma_semaphore, #tpu.memory_space<semaphore_mem>>)
      %dma_wait3A_20 = tpu.memref_slice %arg2[%mul3A_2] : memref<4096xi32, #tpu.memory_space<hbm>> -> memref<128xi32, #tpu.memory_space<hbm>>
      %dma_wait3A_21 = tpu.memref_slice %arg2[%mul3A_2] : memref<4096xi32, #tpu.memory_space<hbm>> -> memref<128xi32, #tpu.memory_space<hbm>>
      tpu.wait_dma2 semaphore(%run_scoped3A : memref<!tpu.dma_semaphore, #tpu.memory_space<semaphore_mem>>) src(%dma_wait3A_21 : memref<128xi32, #tpu.memory_space<hbm>>) dst(%arg6 : memref<128xi32, #tpu.memory_space<vmem>>)
      tpu.yield
    }) : () -> ()
    "tpu.region"() ({
      %run_scoped3A = tpu.sem_alloc : memref<!tpu.dma_semaphore, #tpu.memory_space<semaphore_mem>>
      %dma_start3A_18 = arith.constant 0 : i32
      %dma_start3A_19 = arith.constant 0 : i32
      %dma_start3A_20 = tpu.memref_slice %arg3[%add3A, %dma_start3A_18, %dma_start3A_19] : memref<32x16x8xi32, #tpu.memory_space<hbm>> -> memref<1x16x8xi32, #tpu.memory_space<hbm>>
      %dma_start3A_21 = tpu.memref_squeeze %dma_start3A_20 : memref<1x16x8xi32, #tpu.memory_space<hbm>> -> memref<16x8xi32, #tpu.memory_space<hbm>>
      %dma_start3A_22 = arith.constant 0 : i32
      %dma_start3A_23 = arith.constant 0 : i32
      %dma_start3A_24 = tpu.memref_slice %arg3[%add3A, %dma_start3A_22, %dma_start3A_23] : memref<32x16x8xi32, #tpu.memory_space<hbm>> -> memref<1x16x8xi32, #tpu.memory_space<hbm>>
      %dma_start3A_25 = tpu.memref_squeeze %dma_start3A_24 : memref<1x16x8xi32, #tpu.memory_space<hbm>> -> memref<16x8xi32, #tpu.memory_space<hbm>>
      tpu.enqueue_dma source(%dma_start3A_25 : memref<16x8xi32, #tpu.memory_space<hbm>>) target(%arg7 : memref<16x8xi32, #tpu.memory_space<vmem>>) target_semaphore(%run_scoped3A : memref<!tpu.dma_semaphore, #tpu.memory_space<semaphore_mem>>)
      %dma_wait3A_26 = arith.constant 0 : i32
      %dma_wait3A_27 = arith.constant 0 : i32
      %dma_wait3A_28 = tpu.memref_slice %arg3[%add3A, %dma_wait3A_26, %dma_wait3A_27] : memref<32x16x8xi32, #tpu.memory_space<hbm>> -> memref<1x16x8xi32, #tpu.memory_space<hbm>>
      %dma_wait3A_29 = tpu.memref_squeeze %dma_wait3A_28 : memref<1x16x8xi32, #tpu.memory_space<hbm>> -> memref<16x8xi32, #tpu.memory_space<hbm>>
      %dma_wait3A_30 = arith.constant 0 : i32
      %dma_wait3A_31 = arith.constant 0 : i32
      %dma_wait3A_32 = tpu.memref_slice %arg3[%add3A, %dma_wait3A_30, %dma_wait3A_31] : memref<32x16x8xi32, #tpu.memory_space<hbm>> -> memref<1x16x8xi32, #tpu.memory_space<hbm>>
      %dma_wait3A_33 = tpu.memref_squeeze %dma_wait3A_32 : memref<1x16x8xi32, #tpu.memory_space<hbm>> -> memref<16x8xi32, #tpu.memory_space<hbm>>
      tpu.wait_dma2 semaphore(%run_scoped3A : memref<!tpu.dma_semaphore, #tpu.memory_space<semaphore_mem>>) src(%dma_wait3A_33 : memref<16x8xi32, #tpu.memory_space<hbm>>) dst(%arg7 : memref<16x8xi32, #tpu.memory_space<vmem>>)
      tpu.yield
    }) : () -> ()
    %dma_start3A = arith.constant 0 : i32
    %dma_start3A_3 = tpu.memref_slice %arg6[%dma_start3A] : memref<128xi32, #tpu.memory_space<vmem>> -> memref<8xi32, #tpu.memory_space<vmem>>
    %dma_start3A_4 = arith.constant 0 : i32
    %dma_start3A_5 = arith.constant 0 : i32
    %dma_start3A_6 = tpu.memref_slice %arg4[%dma_start3A_4, %dma_start3A_5] : memref<3200x18432xf32, #tpu.memory_space<hbm>> -> memref<3200x4608xf32, #tpu.memory_space<hbm>>
    tpu.enqueue_indirect_dma source(%dma_start3A_6 : memref<3200x4608xf32, #tpu.memory_space<hbm>>) target(%arg8 : memref<8x4608xf32, #tpu.memory_space<vmem>>) offsets(%dma_start3A_3 : memref<8xi32, #tpu.memory_space<vmem>>) semaphore(%arg10 : memref<!tpu.dma_semaphore, #tpu.memory_space<semaphore_mem>>)
    %scan3A = arith.constant 0 : i32
    %scan3A_7 = arith.constant 0 : i32
    %scan3A_8 = arith.constant 16 : i32
    %scan3A_9 = arith.addi %scan3A_7, %scan3A_8 : i32
    %scan3A_10 = arith.constant 1 : i32
    scf.for %scan3A_18 = %scan3A_7 to %scan3A_9 step %scan3A_10  : i32 {
      %gt3A = arith.constant 0 : i32
      %gt3A_19 = arith.cmpi sgt, %scan3A_18, %gt3A : i32
      %convert_element_type3A = arith.extui %gt3A_19 : i1 to i32
      %cond3A = arith.constant 0 : i32
      %cond3A_20 = arith.cmpi ne, %convert_element_type3A, %cond3A : i32
      scf.if %cond3A_20 {
        %sub3A = arith.constant 1 : i32
        %sub3A_109 = arith.subi %scan3A_18, %sub3A : i32
        %dma_wait3A_110 = arith.constant 0 : i32
        %dma_wait3A_111 = tpu.memref_slice %arg7[%sub3A_109, %dma_wait3A_110] : memref<16x8xi32, #tpu.memory_space<vmem>> -> memref<1x8xi32, #tpu.memory_space<vmem>>
        %dma_wait3A_112 = tpu.memref_squeeze %dma_wait3A_111 : memref<1x8xi32, #tpu.memory_space<vmem>> -> memref<8xi32, #tpu.memory_space<vmem>>
        %dma_wait3A_113 = arith.constant 0 : i32
        %dma_wait3A_114 = arith.constant 13824 : i32
        %dma_wait3A_115 = tpu.memref_slice %arg5[%dma_wait3A_113, %dma_wait3A_114] : memref<4096x18432xf32, #tpu.memory_space<hbm>> -> memref<4096x4608xf32, #tpu.memory_space<hbm>>
        tpu.wait_indirect_dma semaphore(%arg13 : memref<!tpu.dma_semaphore, #tpu.memory_space<semaphore_mem>>) src(%arg9 : memref<8x4608xf32, #tpu.memory_space<vmem>>) dst(%dma_wait3A_115 : memref<4096x4608xf32, #tpu.memory_space<hbm>>)
        %mul3A_116 = arith.constant 8 : i32
        %mul3A_117 = arith.muli %scan3A_18, %mul3A_116 : i32
        %dma_start3A_118 = tpu.memref_slice %arg6[%mul3A_117] : memref<128xi32, #tpu.memory_space<vmem>> -> memref<8xi32, #tpu.memory_space<vmem>>
        %dma_start3A_119 = arith.constant 0 : i32
        %dma_start3A_120 = arith.constant 4608 : i32
        %dma_start3A_121 = tpu.memref_slice %arg4[%dma_start3A_119, %dma_start3A_120] : memref<3200x18432xf32, #tpu.memory_space<hbm>> -> memref<3200x4608xf32, #tpu.memory_space<hbm>>
        tpu.enqueue_indirect_dma source(%dma_start3A_121 : memref<3200x4608xf32, #tpu.memory_space<hbm>>) target(%arg9 : memref<8x4608xf32, #tpu.memory_space<vmem>>) offsets(%dma_start3A_118 : memref<8xi32, #tpu.memory_space<vmem>>) semaphore(%arg11 : memref<!tpu.dma_semaphore, #tpu.memory_space<semaphore_mem>>)
      } else {
      }
      %eq3A = arith.constant 0 : i32
      %eq3A_21 = arith.cmpi eq, %scan3A_18, %eq3A : i32
      %convert_element_type3A_22 = arith.extui %eq3A_21 : i1 to i32
      %cond3A_23 = arith.constant 0 : i32
      %cond3A_24 = arith.cmpi ne, %convert_element_type3A_22, %cond3A_23 : i32
      scf.if %cond3A_24 {
        %mul3A_109 = arith.constant 8 : i32
        %mul3A_110 = arith.muli %scan3A_18, %mul3A_109 : i32
        %dma_start3A_111 = tpu.memref_slice %arg6[%mul3A_110] : memref<128xi32, #tpu.memory_space<vmem>> -> memref<8xi32, #tpu.memory_space<vmem>>
        %dma_start3A_112 = arith.constant 0 : i32
        %dma_start3A_113 = arith.constant 4608 : i32
        %dma_start3A_114 = tpu.memref_slice %arg4[%dma_start3A_112, %dma_start3A_113] : memref<3200x18432xf32, #tpu.memory_space<hbm>> -> memref<3200x4608xf32, #tpu.memory_space<hbm>>
        tpu.enqueue_indirect_dma source(%dma_start3A_114 : memref<3200x4608xf32, #tpu.memory_space<hbm>>) target(%arg9 : memref<8x4608xf32, #tpu.memory_space<vmem>>) offsets(%dma_start3A_111 : memref<8xi32, #tpu.memory_space<vmem>>) semaphore(%arg11 : memref<!tpu.dma_semaphore, #tpu.memory_space<semaphore_mem>>)
      } else {
      }
      %mul3A_25 = arith.constant 8 : i32
      %mul3A_26 = arith.muli %scan3A_18, %mul3A_25 : i32
      %dma_wait3A_27 = tpu.memref_slice %arg6[%mul3A_26] : memref<128xi32, #tpu.memory_space<vmem>> -> memref<8xi32, #tpu.memory_space<vmem>>
      %dma_wait3A_28 = arith.constant 0 : i32
      %dma_wait3A_29 = arith.constant 0 : i32
      %dma_wait3A_30 = tpu.memref_slice %arg4[%dma_wait3A_28, %dma_wait3A_29] : memref<3200x18432xf32, #tpu.memory_space<hbm>> -> memref<3200x4608xf32, #tpu.memory_space<hbm>>
      tpu.wait_indirect_dma semaphore(%arg10 : memref<!tpu.dma_semaphore, #tpu.memory_space<semaphore_mem>>) src(%dma_wait3A_30 : memref<3200x4608xf32, #tpu.memory_space<hbm>>) dst(%arg8 : memref<8x4608xf32, #tpu.memory_space<vmem>>)
      %dma_start3A_31 = arith.constant 0 : i32
      %dma_start3A_32 = tpu.memref_slice %arg7[%scan3A_18, %dma_start3A_31] : memref<16x8xi32, #tpu.memory_space<vmem>> -> memref<1x8xi32, #tpu.memory_space<vmem>>
      %dma_start3A_33 = tpu.memref_squeeze %dma_start3A_32 : memref<1x8xi32, #tpu.memory_space<vmem>> -> memref<8xi32, #tpu.memory_space<vmem>>
      %dma_start3A_34 = arith.constant 0 : i32
      %dma_start3A_35 = arith.constant 0 : i32
      %dma_start3A_36 = tpu.memref_slice %arg5[%dma_start3A_34, %dma_start3A_35] : memref<4096x18432xf32, #tpu.memory_space<hbm>> -> memref<4096x4608xf32, #tpu.memory_space<hbm>>
      tpu.enqueue_indirect_dma source(%arg8 : memref<8x4608xf32, #tpu.memory_space<vmem>>) target(%dma_start3A_36 : memref<4096x4608xf32, #tpu.memory_space<hbm>>) offsets(%dma_start3A_33 : memref<8xi32, #tpu.memory_space<vmem>>) semaphore(%arg12 : memref<!tpu.dma_semaphore, #tpu.memory_space<semaphore_mem>>)
      %dma_wait3A_37 = arith.constant 0 : i32
      %dma_wait3A_38 = tpu.memref_slice %arg7[%scan3A_18, %dma_wait3A_37] : memref<16x8xi32, #tpu.memory_space<vmem>> -> memref<1x8xi32, #tpu.memory_space<vmem>>
      %dma_wait3A_39 = tpu.memref_squeeze %dma_wait3A_38 : memref<1x8xi32, #tpu.memory_space<vmem>> -> memref<8xi32, #tpu.memory_space<vmem>>
      %dma_wait3A_40 = arith.constant 0 : i32
      %dma_wait3A_41 = arith.constant 0 : i32
      %dma_wait3A_42 = tpu.memref_slice %arg5[%dma_wait3A_40, %dma_wait3A_41] : memref<4096x18432xf32, #tpu.memory_space<hbm>> -> memref<4096x4608xf32, #tpu.memory_space<hbm>>
      tpu.wait_indirect_dma semaphore(%arg12 : memref<!tpu.dma_semaphore, #tpu.memory_space<semaphore_mem>>) src(%arg8 : memref<8x4608xf32, #tpu.memory_space<vmem>>) dst(%dma_wait3A_42 : memref<4096x4608xf32, #tpu.memory_space<hbm>>)
      %mul3A_43 = arith.constant 8 : i32
      %mul3A_44 = arith.muli %scan3A_18, %mul3A_43 : i32
      %dma_start3A_45 = tpu.memref_slice %arg6[%mul3A_44] : memref<128xi32, #tpu.memory_space<vmem>> -> memref<8xi32, #tpu.memory_space<vmem>>
      %dma_start3A_46 = arith.constant 0 : i32
      %dma_start3A_47 = arith.constant 9216 : i32
      %dma_start3A_48 = tpu.memref_slice %arg4[%dma_start3A_46, %dma_start3A_47] : memref<3200x18432xf32, #tpu.memory_space<hbm>> -> memref<3200x4608xf32, #tpu.memory_space<hbm>>
      tpu.enqueue_indirect_dma source(%dma_start3A_48 : memref<3200x4608xf32, #tpu.memory_space<hbm>>) target(%arg8 : memref<8x4608xf32, #tpu.memory_space<vmem>>) offsets(%dma_start3A_45 : memref<8xi32, #tpu.memory_space<vmem>>) semaphore(%arg10 : memref<!tpu.dma_semaphore, #tpu.memory_space<semaphore_mem>>)
      %mul3A_49 = arith.constant 8 : i32
      %mul3A_50 = arith.muli %scan3A_18, %mul3A_49 : i32
      %dma_wait3A_51 = tpu.memref_slice %arg6[%mul3A_50] : memref<128xi32, #tpu.memory_space<vmem>> -> memref<8xi32, #tpu.memory_space<vmem>>
      %dma_wait3A_52 = arith.constant 0 : i32
      %dma_wait3A_53 = arith.constant 4608 : i32
      %dma_wait3A_54 = tpu.memref_slice %arg4[%dma_wait3A_52, %dma_wait3A_53] : memref<3200x18432xf32, #tpu.memory_space<hbm>> -> memref<3200x4608xf32, #tpu.memory_space<hbm>>
      tpu.wait_indirect_dma semaphore(%arg11 : memref<!tpu.dma_semaphore, #tpu.memory_space<semaphore_mem>>) src(%dma_wait3A_54 : memref<3200x4608xf32, #tpu.memory_space<hbm>>) dst(%arg9 : memref<8x4608xf32, #tpu.memory_space<vmem>>)
      %dma_start3A_55 = arith.constant 0 : i32
      %dma_start3A_56 = tpu.memref_slice %arg7[%scan3A_18, %dma_start3A_55] : memref<16x8xi32, #tpu.memory_space<vmem>> -> memref<1x8xi32, #tpu.memory_space<vmem>>
      %dma_start3A_57 = tpu.memref_squeeze %dma_start3A_56 : memref<1x8xi32, #tpu.memory_space<vmem>> -> memref<8xi32, #tpu.memory_space<vmem>>
      %dma_start3A_58 = arith.constant 0 : i32
      %dma_start3A_59 = arith.constant 4608 : i32
      %dma_start3A_60 = tpu.memref_slice %arg5[%dma_start3A_58, %dma_start3A_59] : memref<4096x18432xf32, #tpu.memory_space<hbm>> -> memref<4096x4608xf32, #tpu.memory_space<hbm>>
      tpu.enqueue_indirect_dma source(%arg9 : memref<8x4608xf32, #tpu.memory_space<vmem>>) target(%dma_start3A_60 : memref<4096x4608xf32, #tpu.memory_space<hbm>>) offsets(%dma_start3A_57 : memref<8xi32, #tpu.memory_space<vmem>>) semaphore(%arg13 : memref<!tpu.dma_semaphore, #tpu.memory_space<semaphore_mem>>)
      %dma_wait3A_61 = arith.constant 0 : i32
      %dma_wait3A_62 = tpu.memref_slice %arg7[%scan3A_18, %dma_wait3A_61] : memref<16x8xi32, #tpu.memory_space<vmem>> -> memref<1x8xi32, #tpu.memory_space<vmem>>
      %dma_wait3A_63 = tpu.memref_squeeze %dma_wait3A_62 : memref<1x8xi32, #tpu.memory_space<vmem>> -> memref<8xi32, #tpu.memory_space<vmem>>
      %dma_wait3A_64 = arith.constant 0 : i32
      %dma_wait3A_65 = arith.constant 4608 : i32
      %dma_wait3A_66 = tpu.memref_slice %arg5[%dma_wait3A_64, %dma_wait3A_65] : memref<4096x18432xf32, #tpu.memory_space<hbm>> -> memref<4096x4608xf32, #tpu.memory_space<hbm>>
      tpu.wait_indirect_dma semaphore(%arg13 : memref<!tpu.dma_semaphore, #tpu.memory_space<semaphore_mem>>) src(%arg9 : memref<8x4608xf32, #tpu.memory_space<vmem>>) dst(%dma_wait3A_66 : memref<4096x4608xf32, #tpu.memory_space<hbm>>)
      %mul3A_67 = arith.constant 8 : i32
      %mul3A_68 = arith.muli %scan3A_18, %mul3A_67 : i32
      %dma_start3A_69 = tpu.memref_slice %arg6[%mul3A_68] : memref<128xi32, #tpu.memory_space<vmem>> -> memref<8xi32, #tpu.memory_space<vmem>>
      %dma_start3A_70 = arith.constant 0 : i32
      %dma_start3A_71 = arith.constant 13824 : i32
      %dma_start3A_72 = tpu.memref_slice %arg4[%dma_start3A_70, %dma_start3A_71] : memref<3200x18432xf32, #tpu.memory_space<hbm>> -> memref<3200x4608xf32, #tpu.memory_space<hbm>>
      tpu.enqueue_indirect_dma source(%dma_start3A_72 : memref<3200x4608xf32, #tpu.memory_space<hbm>>) target(%arg9 : memref<8x4608xf32, #tpu.memory_space<vmem>>) offsets(%dma_start3A_69 : memref<8xi32, #tpu.memory_space<vmem>>) semaphore(%arg11 : memref<!tpu.dma_semaphore, #tpu.memory_space<semaphore_mem>>)
      %mul3A_73 = arith.constant 8 : i32
      %mul3A_74 = arith.muli %scan3A_18, %mul3A_73 : i32
      %dma_wait3A_75 = tpu.memref_slice %arg6[%mul3A_74] : memref<128xi32, #tpu.memory_space<vmem>> -> memref<8xi32, #tpu.memory_space<vmem>>
      %dma_wait3A_76 = arith.constant 0 : i32
      %dma_wait3A_77 = arith.constant 9216 : i32
      %dma_wait3A_78 = tpu.memref_slice %arg4[%dma_wait3A_76, %dma_wait3A_77] : memref<3200x18432xf32, #tpu.memory_space<hbm>> -> memref<3200x4608xf32, #tpu.memory_space<hbm>>
      tpu.wait_indirect_dma semaphore(%arg10 : memref<!tpu.dma_semaphore, #tpu.memory_space<semaphore_mem>>) src(%dma_wait3A_78 : memref<3200x4608xf32, #tpu.memory_space<hbm>>) dst(%arg8 : memref<8x4608xf32, #tpu.memory_space<vmem>>)
      %dma_start3A_79 = arith.constant 0 : i32
      %dma_start3A_80 = tpu.memref_slice %arg7[%scan3A_18, %dma_start3A_79] : memref<16x8xi32, #tpu.memory_space<vmem>> -> memref<1x8xi32, #tpu.memory_space<vmem>>
      %dma_start3A_81 = tpu.memref_squeeze %dma_start3A_80 : memref<1x8xi32, #tpu.memory_space<vmem>> -> memref<8xi32, #tpu.memory_space<vmem>>
      %dma_start3A_82 = arith.constant 0 : i32
      %dma_start3A_83 = arith.constant 9216 : i32
      %dma_start3A_84 = tpu.memref_slice %arg5[%dma_start3A_82, %dma_start3A_83] : memref<4096x18432xf32, #tpu.memory_space<hbm>> -> memref<4096x4608xf32, #tpu.memory_space<hbm>>
      tpu.enqueue_indirect_dma source(%arg8 : memref<8x4608xf32, #tpu.memory_space<vmem>>) target(%dma_start3A_84 : memref<4096x4608xf32, #tpu.memory_space<hbm>>) offsets(%dma_start3A_81 : memref<8xi32, #tpu.memory_space<vmem>>) semaphore(%arg12 : memref<!tpu.dma_semaphore, #tpu.memory_space<semaphore_mem>>)
      %dma_wait3A_85 = arith.constant 0 : i32
      %dma_wait3A_86 = tpu.memref_slice %arg7[%scan3A_18, %dma_wait3A_85] : memref<16x8xi32, #tpu.memory_space<vmem>> -> memref<1x8xi32, #tpu.memory_space<vmem>>
      %dma_wait3A_87 = tpu.memref_squeeze %dma_wait3A_86 : memref<1x8xi32, #tpu.memory_space<vmem>> -> memref<8xi32, #tpu.memory_space<vmem>>
      %dma_wait3A_88 = arith.constant 0 : i32
      %dma_wait3A_89 = arith.constant 9216 : i32
      %dma_wait3A_90 = tpu.memref_slice %arg5[%dma_wait3A_88, %dma_wait3A_89] : memref<4096x18432xf32, #tpu.memory_space<hbm>> -> memref<4096x4608xf32, #tpu.memory_space<hbm>>
      tpu.wait_indirect_dma semaphore(%arg12 : memref<!tpu.dma_semaphore, #tpu.memory_space<semaphore_mem>>) src(%arg8 : memref<8x4608xf32, #tpu.memory_space<vmem>>) dst(%dma_wait3A_90 : memref<4096x4608xf32, #tpu.memory_space<hbm>>)
      %add3A_91 = arith.constant 1 : i32
      %add3A_92 = arith.addi %scan3A_18, %add3A_91 : i32
      %lt3A = arith.constant 16 : i32
      %lt3A_93 = arith.cmpi slt, %add3A_92, %lt3A : i32
      %convert_element_type3A_94 = arith.extui %lt3A_93 : i1 to i32
      %cond3A_95 = arith.constant 0 : i32
      %cond3A_96 = arith.cmpi ne, %convert_element_type3A_94, %cond3A_95 : i32
      scf.if %cond3A_96 {
        %add3A_109 = arith.constant 1 : i32
        %add3A_110 = arith.addi %scan3A_18, %add3A_109 : i32
        %mul3A_111 = arith.constant 8 : i32
        %mul3A_112 = arith.muli %add3A_110, %mul3A_111 : i32
        %dma_start3A_113 = tpu.memref_slice %arg6[%mul3A_112] : memref<128xi32, #tpu.memory_space<vmem>> -> memref<8xi32, #tpu.memory_space<vmem>>
        %dma_start3A_114 = arith.constant 0 : i32
        %dma_start3A_115 = arith.constant 0 : i32
        %dma_start3A_116 = tpu.memref_slice %arg4[%dma_start3A_114, %dma_start3A_115] : memref<3200x18432xf32, #tpu.memory_space<hbm>> -> memref<3200x4608xf32, #tpu.memory_space<hbm>>
        tpu.enqueue_indirect_dma source(%dma_start3A_116 : memref<3200x4608xf32, #tpu.memory_space<hbm>>) target(%arg8 : memref<8x4608xf32, #tpu.memory_space<vmem>>) offsets(%dma_start3A_113 : memref<8xi32, #tpu.memory_space<vmem>>) semaphore(%arg10 : memref<!tpu.dma_semaphore, #tpu.memory_space<semaphore_mem>>)
      } else {
      }
      %mul3A_97 = arith.constant 8 : i32
      %mul3A_98 = arith.muli %scan3A_18, %mul3A_97 : i32
      %dma_wait3A_99 = tpu.memref_slice %arg6[%mul3A_98] : memref<128xi32, #tpu.memory_space<vmem>> -> memref<8xi32, #tpu.memory_space<vmem>>
      %dma_wait3A_100 = arith.constant 0 : i32
      %dma_wait3A_101 = arith.constant 13824 : i32
      %dma_wait3A_102 = tpu.memref_slice %arg4[%dma_wait3A_100, %dma_wait3A_101] : memref<3200x18432xf32, #tpu.memory_space<hbm>> -> memref<3200x4608xf32, #tpu.memory_space<hbm>>
      tpu.wait_indirect_dma semaphore(%arg11 : memref<!tpu.dma_semaphore, #tpu.memory_space<semaphore_mem>>) src(%dma_wait3A_102 : memref<3200x4608xf32, #tpu.memory_space<hbm>>) dst(%arg9 : memref<8x4608xf32, #tpu.memory_space<vmem>>)
      %dma_start3A_103 = arith.constant 0 : i32
      %dma_start3A_104 = tpu.memref_slice %arg7[%scan3A_18, %dma_start3A_103] : memref<16x8xi32, #tpu.memory_space<vmem>> -> memref<1x8xi32, #tpu.memory_space<vmem>>
      %dma_start3A_105 = tpu.memref_squeeze %dma_start3A_104 : memref<1x8xi32, #tpu.memory_space<vmem>> -> memref<8xi32, #tpu.memory_space<vmem>>
      %dma_start3A_106 = arith.constant 0 : i32
      %dma_start3A_107 = arith.constant 13824 : i32
      %dma_start3A_108 = tpu.memref_slice %arg5[%dma_start3A_106, %dma_start3A_107] : memref<4096x18432xf32, #tpu.memory_space<hbm>> -> memref<4096x4608xf32, #tpu.memory_space<hbm>>
      tpu.enqueue_indirect_dma source(%arg9 : memref<8x4608xf32, #tpu.memory_space<vmem>>) target(%dma_start3A_108 : memref<4096x4608xf32, #tpu.memory_space<hbm>>) offsets(%dma_start3A_105 : memref<8xi32, #tpu.memory_space<vmem>>) semaphore(%arg13 : memref<!tpu.dma_semaphore, #tpu.memory_space<semaphore_mem>>)
    }
    %scan3A_11 = arith.constant 16 : i32
    %dma_wait3A = arith.constant 15 : i32
    %dma_wait3A_12 = arith.constant 0 : i32
    %dma_wait3A_13 = tpu.memref_slice %arg7[%dma_wait3A, %dma_wait3A_12] : memref<16x8xi32, #tpu.memory_space<vmem>> -> memref<1x8xi32, #tpu.memory_space<vmem>>
    %dma_wait3A_14 = tpu.memref_squeeze %dma_wait3A_13 : memref<1x8xi32, #tpu.memory_space<vmem>> -> memref<8xi32, #tpu.memory_space<vmem>>
    %dma_wait3A_15 = arith.constant 0 : i32
    %dma_wait3A_16 = arith.constant 13824 : i32
    %dma_wait3A_17 = tpu.memref_slice %arg5[%dma_wait3A_15, %dma_wait3A_16] : memref<4096x18432xf32, #tpu.memory_space<hbm>> -> memref<4096x4608xf32, #tpu.memory_space<hbm>>
    tpu.wait_indirect_dma semaphore(%arg13 : memref<!tpu.dma_semaphore, #tpu.memory_space<semaphore_mem>>) src(%arg9 : memref<8x4608xf32, #tpu.memory_space<vmem>>) dst(%dma_wait3A_17 : memref<4096x4608xf32, #tpu.memory_space<hbm>>)
    return
  }
}

</mosaic_0001>

<sc_bundles>
// kernel: gather_offload_async_start
scs
__scs_entry_jumppad:
0x0: {  	(pc) =	sbr.rel $0x88, $3  }
0x1: {  	(tag) =	ssettag $0x0;
	lr =	simm.s32 $0x1  }
0x2: {  	[smem:$0x3F9F] =	sst lr;
	_ =	strace $0xD0000000  }
0x3: {  	_ = 	snop  }
0x4: {  	_ = 	snop  }
0x5: {  	_ = 	snop  }
0x6: {  	_ = 	snop  }
0x7: {  	_ = 	snop  }
__scs_overlays_trampoline_lowered:
0x8: {  	[smem:$0x3FAE] =	sst s0  }
0x9: {  	[smem:$0x3FAF] =	sst s1  }
0xa: {  	[smem:$0x3FB0] =	sst s2  }
0xb: {  	[smem:$0x3FB1] =	sst s3  }
0xc: {  	[smem:$0x3FB2] =	sst s4  }
0xd: {  	[smem:$0x3FB3] =	sst s5  }
0xe: {  	[smem:$0x3FB4] =	sst s6  }
0xf: {  	[smem:$0x3FB5] =	sst s7  }
0x10: {  	[smem:$0x3FB6] =	sst s8  }
0x11: {  	[smem:$0x3FB7] =	sst s9;
	s0 =	simm.s32 @!p0 $0x0  }
0x12: {  	s1 =	sld [smem:$0x3F9D];
	s0 =	simm.s32 @p0 $0x1  }
0x13: {  	[smem:$0x3FB8] =	sst s0;
	s0 =	simm.s32 @!p1 $0x0  }
0x14: {  	s2 =	sld [smem:$0x3F9C];
	s0 =	simm.s32 @p1 $0x1  }
0x15: {  	[smem:$0x3FB9] =	sst s0;
	s0 =	simm.s32 @!p2 $0x0  }
0x16: {  	s3 =	sld [smem:$0x3FDB];
	s0 =	simm.s32 @p2 $0x1  }
0x17: {  	s4 =	simm.s32 $0x1BF5;
	[smem:$0x3FBB] =	sst s0  }
0x18: {  	s0 =	sld [smem:$0x3F9E];
	_ =	swait.ge [sflag:s4], $0x0  }
0x19: {  	s7 =	sld [smem:$0x3F9F]  }
0x1a: {  	s8 =	sadd.s32 $0xFFFFE003, lr  }
0x1b: {  	s9 =	sadd.s32 $0xFFFFFEF7, lr;
	s5 =	simm.s32 $0xFFFFFFFF;
	p2 =	slt.u32 s8, $0xFFFFF086  }
0x1c: {  	p1 =	slt.u32 s9, $0xF7A;
	s5 =	simm.s32 @!p2 $0x0  }
0x1d: {  	s5 =	simm.s32 @p1 $0x1;
	p0 =	seq.s32 s7, s2  }
0x1e: {  	s7 =	smul.u32 @!p0 $0xF7A, s2;
	p2 =	seq.s32 @!p0 s5, $0x0  }
0x1f: {  	s9 =	smul.u32 $0xF7A, s1;
	s8 =	simm.s32 @!p0 $0x1BF5;
	p2 =	por !p2, p0  }
0x20: {  	[sflag:s8] =	ssyncset.s32 @!p0 $0xFFFFF086;
	s6 =	sadd.s32 @!p0 s3, s7;
	s7 =	simm.s32 @!p0 $0x108  }
0x21: {  	s3 =	sadd.s32 s3, s9;
	s6 =	sadd.s32 @!p0 $0x88, s6;
	s7 =	simm.s32 @p2 $0x1082  }
0x22: {  	[simem:s7], [sflag:s8] =	dma.local @!p0 [hbm:s6], $0xF7A  }
0x23: {  	s9 =	sor.u32 $0xD0000000, s2;
	s6 =	simm.s32 $0x108;
	_ =	swait.ge @!p0 [sflag:s8], $0x0  }
0x24: {  	s3 =	sadd.s32 $0x88, s3;
	s6 =	simm.s32 @!p1 $0x1082;
	[sflag:s4] =	ssyncset.s32 $0xFFFFF086  }
0x25: {  	[simem:s6], [sflag:s4] =	dma.local [hbm:s3], $0xF7A  }
0x26: {  	[smem:$0x3F9F] =	sst s1;
	(tag) =	ssettag s2;
	_ =	strace s9  }
0x27: {  	s1 =	sld [smem:$0x3FAF]  }
0x28: {  	s2 =	sld [smem:$0x3FB0]  }
0x29: {  	s4 =	sld [smem:$0x3FB2]  }
0x2a: {  	p0 =	seq.s32 s5, $0x0;
	s5 =	sld [smem:$0x3FB3]  }
0x2b: {  	s6 =	sld [smem:$0x3FB4]  }
0x2c: {  	s7 =	sld [smem:$0x3FB5]  }
0x2d: {  	s3 =	simm.s32 $0x108;
	s8 =	sld [smem:$0x3FB6]  }
0x2e: {  	s3 =	simm.s32 @!p0 $0x1082;
	s9 =	sld [smem:$0x3FB7]  }
0x2f: {  	lr =	sadd.s32 s0, s3;
	s0 =	sld [smem:$0x3FAE]  }
0x30: {  	s3 =	sld [smem:$0x3FB1]  }
0x31: {  	[smem:$0x3FBA] =	sst s10  }
0x32: {  	s10 =	sld [smem:$0x3FB8];
	_ =	sdelay $0x3  }
0x33: {  	p0 =	seq.s32 s10, $0x1;
	s10 =	sld [smem:$0x3FBA];
	_ =	sdelay $0x3  }
0x34: {  	[smem:$0x3FBA] =	sst s10  }
0x35: {  	s10 =	sld [smem:$0x3FB9];
	_ =	sdelay $0x3  }
0x36: {  	p1 =	seq.s32 s10, $0x1;
	s10 =	sld [smem:$0x3FBA];
	_ =	sdelay $0x3  }
0x37: {  	[smem:$0x3FBA] =	sst s10  }
0x38: {  	s10 =	sld [smem:$0x3FBB]  }
0x39: {  	_ = 	snop;
	(pc) =	sbr.ind lr, $3  }
0x3a: {  	_ = 	snop  }
0x3b: {  	_ = 	snop  }
0x3c: {  	p2 =	seq.s32 s10, $0x1;
	s10 =	sld [smem:$0x3FBA]  }
0x3d: {  	_ =	shalt  }
0x3e: {  	_ =	shalt  }
0x3f: {  	_ =	shalt  }
0x40: {  	_ =	shalt  }
0x41: {  	_ =	shalt  }
0x42: {  	_ =	shalt  }
0x43: {  	_ =	shalt  }
0x44: {  	_ =	shalt  }
0x45: {  	_ =	shalt  }
0x46: {  	_ =	shalt  }
0x47: {  	_ =	shalt  }
0x48: {  	_ =	shalt  }
0x49: {  	_ =	shalt  }
0x4a: {  	_ =	shalt  }
0x4b: {  	_ =	shalt  }
0x4c: {  	_ =	shalt  }
0x4d: {  	_ =	shalt  }
0x4e: {  	_ =	shalt  }
0x4f: {  	_ =	shalt  }
0x50: {  	_ =	shalt  }
0x51: {  	_ =	shalt  }
0x52: {  	_ =	shalt  }
0x53: {  	_ =	shalt  }
0x54: {  	_ =	shalt  }
0x55: {  	_ =	shalt  }
0x56: {  	_ =	shalt  }
0x57: {  	_ =	shalt  }
0x58: {  	_ =	shalt  }
0x59: {  	_ =	shalt  }
0x5a: {  	_ =	shalt  }
0x5b: {  	_ =	shalt  }
0x5c: {  	_ =	shalt  }
0x5d: {  	_ =	shalt  }
0x5e: {  	_ =	shalt  }
0x5f: {  	_ =	shalt  }
0x60: {  	_ =	shalt  }
0x61: {  	_ =	shalt  }
0x62: {  	_ =	shalt  }
0x63: {  	_ =	shalt  }
0x64: {  	_ =	shalt  }
0x65: {  	_ =	shalt  }
0x66: {  	_ =	shalt  }
0x67: {  	_ =	shalt  }
0x68: {  	_ =	shalt  }
0x69: {  	_ =	shalt  }
0x6a: {  	_ =	shalt  }
0x6b: {  	_ =	shalt  }
0x6c: {  	_ =	shalt  }
0x6d: {  	_ =	shalt  }
0x6e: {  	_ =	shalt  }
0x6f: {  	_ =	shalt  }
0x70: {  	_ =	shalt  }
0x71: {  	_ =	shalt  }
0x72: {  	_ =	shalt  }
0x73: {  	_ =	shalt  }
0x74: {  	_ =	shalt  }
0x75: {  	_ =	shalt  }
0x76: {  	_ =	shalt  }
0x77: {  	_ =	shalt  }
0x78: {  	_ =	shalt  }
0x79: {  	_ =	shalt  }
0x7a: {  	_ =	shalt  }
0x7b: {  	_ =	shalt  }
0x7c: {  	_ =	shalt  }
0x7d: {  	_ =	shalt  }
0x7e: {  	_ =	shalt  }
0x7f: {  	_ =	shalt  }
0x80: {  	_ =	shalt  }
0x81: {  	_ =	shalt  }
0x82: {  	_ =	shalt  }
0x83: {  	_ =	shalt  }
0x84: {  	_ =	shalt  }
0x85: {  	_ =	shalt  }
0x86: {  	_ =	shalt  }
0x87: {  	_ =	shalt  }
.Lfunc_end0:
.L_simem_size_0:
called_computation_lowered:
.L_overlay_start_0:
0x88: {  	s2 =	sld [smem:$0x3FD9]  }
0x89: {  	s3 =	sld [smem:$0x3FFE];
	_ =	sdelay $0x1  }
0x8a: {  	s1 =	srdreg.scid  }
0x8b: {  	s0 =	sand.u32 $0x1, s1  }
0x8c: {  	s17 =	sshll.u32 s0, $0xA;
	s2 =	sadd.s32 s3, s2  }
0x8d: {  	s2 =	sadd.s32 s2, s17  }
0x8e: {  	[smem:$0x3FC6] =	sst s2  }
0x8f: {  	_ = 	snop  }
0x90: {  	s2 =	sld [smem:$0x3FD0];
	(tm) =	ssettm $0x1  }
0x91: {  	s18 =	sld [smem:$0x3FFB];
	_ =	sdelay $0x3  }
0x92: {  	_ =	strace s18  }
0x93: {  	s3 =	sld [smem:$0x3FFC];
	_ =	sdelay $0x3  }
0x94: {  	_ =	strace s3  }
0x95: {  	s3 =	sld [smem:$0x3FFD];
	_ =	sdelay $0x3  }
0x96: {  	_ =	strace s3  }
0x97: {  	_ =	strace $0x8FFFFFFF  }
0x98: {  	s19 =	sld [smem:$0x3FDB];
	_ =	sdelay $0x1  }
0x99: {  	s4 =	simm.s32 $_scs_section_size  }
0x9a: {  	s5 =	simm.s32 $_size__tile_overlayer_lowered;
	s6 =	simm.s32 $_tile_overlayer_lowered  }
0x9b: {  	s22 =	simm.s32 $0x1BFF;
	s21 =	sshll.u32 s6, $0x1;
	s3 =	sadd.s32 s4, s19  }
0x9c: {  	s7 =	simm.s32 $0x0;
	s20 =	sshll.u32 s5, $0x1;
	s5 =	sadd.s32 s21, s3  }
0x9d: {  	[timem:s7], [sflag:s22] =	dma.local [hbm:s5], s20  }
0x9e: {  	_ =	swait.ge [sflag:s22], s20  }
0x9f: {  	s4 =	ssub.s32 $0x0, s20;
	[sflag:s22] =	ssyncset.done $0x0  }
0xa0: {  	[sflag:s22] =	ssyncadd.s32 s4;
	_ =	sdelay $0x1  }
0xa1: {  	s23 =	simm.s32 $0x1B8B  }
0xa2: {  	_ =	swait.ge [sflag:s23], $0x1  }
0xa3: {  	[sflag:s23] =	ssyncset.done $0x0  }
0xa4: {  	s25 =	simm.s32 $0x1B8E;
	s24 =	sld [smem:$0x3FFE];
	[sflag:s23] =	ssyncadd.s32 $0xFFFFFFFF  }
0xa5: {  	s26 =	simm.s32 $execute0_lowered;
	[smem:$0x3FD2] =	sst s25  }
0xa6: {  	s5 =	sshll.u32 s26, $0x1;
	_ =	strace $0x80000046;
	[dreg:$0x1] =	wrdreg $0xFFFFFFFF  }
0xa7: {  	s28 =	simm.s32 $_size_execute0_lowered;
	s3 =	sadd.s32 s3, s5;
	[dreg:$0x0] =	wrdreg $0x0  }
0xa8: {  	s5 =	sshll.u32 s28, $0x1;
	[dreg:$0x2] =	wrdreg s3  }
0xa9: {  	[dreg:$0x3] =	wrdreg s5  }
0xaa: {  	[dreg:$0x4] =	wrdreg $0xC0  }
0xab: {  	_ =	task [dreg:s7], $0x5FFFF  }
0xac: {  	[dreg:$0x1] =	wrdreg $0xFFFFFFFF  }
0xad: {  	[dreg:$0x0] =	wrdreg $0x60  }
0xae: {  	[dreg:$0x2] =	wrdreg s2  }
0xaf: {  	[dreg:$0x3] =	wrdreg s24  }
0xb0: {  	[dreg:$0x4] =	wrdreg $0x9  }
0xb1: {  	_ =	task.clear_ibuf [dreg:s7], $0x5FFFF;
	_ =	strace $0x90000046  }
0xb2: {  	s29 =	simm.s32 $0x9;
	_ =	strace $0x80000048  }
0xb3: {  	_ =	swait.ge [sflag:s29], $0x1  }
0xb4: {  	[sflag:s29] =	ssyncadd.s32 $0xFFFFFFFF  }
0xb5: {  	_ =	strace $0x90000048  }
0xb6: {  	_ =	sfence  }
0xb7: {  	s30 =	sld [smem:$0x0];
	_ =	sdelay $0x2  }
0xb8: {  	s31 =	sshll.u32 s1, $0xD;
	s1 =	sshrl.u32 s1, $0x2  }
0xb9: {  	s3 =	sand.u32 $0x4000, s31;
	s1 =	sadd.s32 s1, s30  }
0xba: {  	s0 =	sor.u32 s3, s0;
	s1 =	sshll.u32 s1, $0x11  }
0xbb: {  	s0 =	sor.u32 s1, s0  }
0xbc: {  	s0 =	sadd.s32 $0x8F2B, s0  }
0xbd: {  	[sflag:s0] =	ssyncadd.remote.s32 $0x1  }
0xbe: {  	_ =	sfence.sel $0xFFFF  }
0xbf: {  	[dreg:$0x0] =	wrdreg $0xFFFFFFFF;
	(pc) =	sbr.abs _section_cstart, $3  }
0xc0: {  	[dreg:$0x1] =	wrdreg $0xFFFFFFFF  }
0xc1: {  	_ =	task.clear_ibuf [dreg:s7], $0x2FFFF;
	_ =	strace $0x9FFFFFFF  }
0xc2: {  	(tm) =	ssettm $0x7FFFFFFF  }
0xc3: {  	_ =	shalt  }
tec
execute0_lowered:
.L_overlay_start_1:
0x0: {  	(tag) =	ssettag $0x1  }
0x1: {  	s1 =	srdreg.scid;
	s2 =	rddreg [dreg:$0x0]  }
0x2: {  	s0 =	stileid.u32;
	s3 =	rddreg [dreg:$0x1]  }
0x3: {  	s6 =	simm.s32 $0x1;
	s9 =	simm.s32 $0x1;
	s1 =	sshll.u32 s1, $0x6  }
0x4: {  	s10 =	simm.s32 $0x3;
	s4 =	sshll.u32 s0, $0x7;
	s5 =	sand.u32 $0x40, s1  }
0x5: {  	s13 =	simm.s32 $0x0;
	s12 =	simm.s32 $0x0;
	s4 =	sor.u32 s4, s5  }
0x6: {  	s1 =	rddreg [dreg:$0x2];
	_ =	strace $0x80000047;
	s8 =	ssub.s32 $0x1000, s4  }
.Ltmp0:
0x7: {  	s5 =	sadd.s32 $0x200, s3;
	s7 =	sand.u32 $0x7C0, s8;
	(pc) =	sbr.rel .LBB2_1-.Ltmp0, $4  }
0x8: {  	[sflag:s6] =	ssyncpa.u1 $0x0;
	s11 =	smov.u32 s4;
	p0 =	sne.s32 s7, $0x0  }
0x9: {  	s8 =	sshrl.u32 s8, $0xB;
	s7 =	simm.s32 $0x2;
	s9 =	simm.s32 @!p0 $0x0  }
0xa: {  	[sflag:s7] =	ssyncpa.u1 $0x0;
	p0 =	por $0x0, $0x0;
	s8 =	sadd.s32 s9, s8  }
0xb: {  	vm0 =	vmmov $0xffff;
	[sflag:s10] =	ssyncpa.u1 $0x0;
	s10 =	simm.s32 $0x0;
	s9 =	sadd.s32 $0x1, s8  }
.LBB2_4:
0xc: {  	v2 =	vnsel vm1, $0x0, v2  }
0xd: {  	vm1 =	vgt.s32 v0, $0x0;
	v2 =	vmin.u32 v2, $0xFFF  }
0xe: {  	v0 =	vnsel vm1, $0x0, v0  }
0xf: {  	v0 =	vmin.u32 v0, $0xFFF  }
0x10: {  	[tilespmem:s15], [sflag:$0x1] =	stream.indirect_vreg.gather [hbm4b:s2+s10], $0x1, v1, vm0, $0x4038;
	[tilespmem:$0x100] =	vst v63  }
0x11: {  	(ifvalue) =	ssetifvalue $0x7FFFFFFF  }
0x12: {  	[tilespmem:s16], [sflag:$0x1] =	stream.indirect_vreg.gather [hbm4b:s2+s10], $0x1, v2, vm0, $0x4038;
	[tilespmem:$0x100] =	vst v63  }
0x13: {  	s29 =	sadd.s32 $0x10, s16;
	(ifvalue) =	ssetifvalue $0x7FFFFFFF  }
0x14: {  	[tilespmem:s29], [sflag:$0x1] =	stream.indirect_vreg.gather [hbm4b:s2+s10], $0x1, v0, vm0, $0x4038;
	[tilespmem:$0x100] =	vst v63  }
0x15: {  	_ =	swait.ge [sflag:s6], $0x40  }
0x16: {  	s30 =	sshrl.u32 s13, $0x3;
	[sflag:s6] =	ssyncset.done $0x0  }
0x17: {  	s31 =	sand.u32 $0x7, s13;
	s15 =	sadd.s32 s5, s30;
	[sflag:s6] =	ssyncadd.s32 $0xFFFFFFC0  }
0x18: {  	[hbm4b:s15+s31] =	stream.linear.scatter [tilespmem:s14], [sflag:$0x3], $0x40, $0x38;
	[tilespmem:$0x100] =	vst v63  }
.LBB2_5:
0x19: {  	s15 =	sadd.s32 $0x800, s11  }
0x1a: {  	p2 =	sgt.s32 s15, $0xFFF  }
0x1b: {  	s15 =	smov.u32 @p2 s4;
	p2 =	sne.s32 s12, s9  }
.Ltmp1:
0x1c: {  	p1 =	slt.u32 s12, $0x2;
	(pc) =	sbr.rel @!p2 .LBB2_6-.Ltmp1, $4  }
0x1d: {  	s14 =	simm.s32 @!p1 $0x3  }
0x1e: {  	s16 =	sadd.s32 $0x1, s12;
	_ =	swait.ge @!p1 [sflag:s14], $0x40  }
0x1f: {  	s13 =	smov.u32 s11;
	p0 =	por !p0, !p0;
	[sflag:s14] =	ssyncset.done @!p1 $0x0  }
0x20: {  	s12 =	smov.u32 s16;
	s11 =	smov.u32 s15;
	[sflag:s14] =	ssyncadd.s32 @!p1 $0xFFFFFFC0  }
.LBB2_1:
0x21: {  	p1 =	sge.u32 s12, s8  }
0x22: {  	s14 =	sxor.u32 @!p1 $0xFFFFFFFF, s12  }
0x23: {  	s31 =	sadd.s32 $0xFFFFFFFF, s12;
	s15 =	sshrl.u32 @!p1 s11, $0x3;
	s14 =	sshll.u32 @!p1 s14, $0x6  }
0x24: {  	s16 =	sand.u32 @!p1 $0x7, s11;
	s15 =	sadd.s32 @!p1 s3, s15;
	s14 =	sand.u32 @!p1 $0x40, s14  }
0x25: {  	[tilespmem:s14], [sflag:$0x2] =	stream.linear.gather @!p1 [hbm4b:s15+s16], $0x40, $0x38;
	[tilespmem:$0x100] =	vst v63  }
0x26: {  	p1 =	sge.u32 s31, s8  }
.Ltmp2:
0x27: {  	_ = 	snop;
	(pc) =	sbr.rel @p1 .LBB2_5-.Ltmp2, $1  }
0x28: {  	_ =	sdelay $0x3  }
0x29: {  	s14 =	simm.s32 $0x1  }
0x2a: {  	_ =	swait.ge [sflag:s7], $0x40;
	s14 =	simm.s32 @!p0 $0x0  }
0x2b: {  	[sflag:s7] =	ssyncset.done $0x0;
	s14 =	sshll.u32 s14, $0x6  }
0x2c: {  	[sflag:s7] =	ssyncadd.s32 $0xFFFFFFC0;
	(ifvalue) =	ssetifvalue $0x7FFFFFFF;
	v0 =	vld.msk [tilespmem:s14+$0x0 ss:$0x1], $0xffff;
	_ =	sdelay $0x4  }
0x2d: {  	s15 =	sadd.s32 $0x10, s14;
	vm1 =	vgt.s32 v0, $0x0  }
0x2e: {  	v2 =	vld.msk [tilespmem:s15+$0x0 ss:$0x1], $0xffff;
	v1 =	vnsel vm1, $0x0, v0  }
0x2f: {  	v1 =	vmin.u32 v1, $0xFFF;
	_ =	sdelay $0x1  }
0x30: {  	s16 =	sshll.u32 s12, $0x6;
	s18 =	simm.s32 $0x20  }
0x31: {  	s16 =	sand.u32 $0x40, s16;
	s17 =	sadd.s32 $0x10, s15;
	s15 =	sor.u32 $0x80, s14  }
0x32: {  	s14 =	sor.u32 $0x80, s16;
	s16 =	sadd.s32 $0x10, s15;
	v0 =	vld.msk [tilespmem:s17+$0x0 ss:$0x1], $0xffff;
	vm1 =	vgt.s32 v2, $0x0;
	(ifvalue) =	ssetifvalue $0x7FFFFFFF  }
.LBB2_3:
0x33: {  	[tilespmem:s15], [sflag:$0x1] =	stream.indirect_vreg.gather [hbm4b:s2+s10], $0x1, v1, vm0, $0x4038;
	[tilespmem:$0x100] =	vst v63  }
0x34: {  	s18 =	sadd.s32 $0x10, s18  }
0x35: {  	v2 =	vnsel vm1, $0x0, v2;
	p1 =	slt.u32 s18, $0x30  }
.Ltmp3:
0x36: {  	s15 =	smov.u32 s16;
	v1 =	vmin.u32 v2, $0xFFF;
	(pc) =	sbr.rel @p1 .LBB2_3-.Ltmp3, $3  }
0x37: {  	_ =	sdelay $0x1  }
0x38: {  	s17 =	sadd.s32 $0x10, s17  }
0x39: {  	vm1 =	vgt.s32 v0, $0x0;
	s16 =	sadd.s32 $0x10, s16;
	v2 =	vmov v0;
	(ifvalue) =	ssetifvalue $0x7FFFFFFF;
	v0 =	vld.msk [tilespmem:s17+$0x0 ss:$0x1], $0xffff  }
.Ltmp4:
0x3a: {  	_ = 	snop;
	(pc) =	sbr.rel .LBB2_4-.Ltmp4, $1  }
0x3b: {  	_ =	sdelay $0x3  }
.LBB2_6:
0x3c: {  	_ =	sfence.sel $0x180000  }
0x3d: {  	s2 =	simm.s32 $0x2;
	[bflag:$0x0] =	sbarrier.arrive $0xFFFF  }
0x3e: {  	s30 =	simm.s32 $0x3;
	[sflag:s2] =	ssyncpa.u1 $0x1  }
0x3f: {  	s31 =	simm.s32 $0x1;
	[sflag:s30] =	ssyncpa.u1 $0x1  }
0x40: {  	[sflag:s31] =	ssyncpa.u1 $0x1  }
0x41: {  	p0 =	sne.s32 s0, $0x0;
	_ =	strace $0x90000047  }
0x42: {  	s0 =	sadd.s32 @!p0 $0x100000, s1;
	[bflag:$0x2] =	sbarrier.arrive $0xFFFF  }
0x43: {  	[sflag:s0] =	ssyncadd.tile.s32 @!p0 $0x1;
	_ =	shalt  }
.Lfunc_end2:
_tile_overlayer_lowered:
.L_overlay_start_2:
0x44: {  	(tag) =	ssettag $0x2  }
0x45: {  	s0 =	rddreg [dreg:$0x0];
	s2 =	stileid.u32  }
0x46: {  	s1 =	rddreg [dreg:$0x1];
	p0 =	sne.s32 s2, $0x0  }
0x47: {  	s3 =	rddreg [dreg:$0x2];
	[bflag:$0x3] =	sbarrier.arrive $0xFFFF;
	s2 =	simm.s32 @!p0 $0x1C01  }
0x48: {  	[timem:s3], [sflag:s2] =	dma.local @!p0 [hbm:s0], s1  }
0x49: {  	s0 =	simm.s32 @!p0 $0x1  }
0x4a: {  	_ =	swait.ge @!p0 [sflag:s0], s1  }
0x4b: {  	s1 =	ssub.s32 @!p0 $0x0, s1;
	[sflag:s0] =	ssyncset.done @!p0 $0x0  }
0x4c: {  	[sflag:s0] =	ssyncadd.s32 @!p0 s1  }
0x4d: {  	[bflag:$0x3] =	sbarrier.arrive $0xFFFF  }
0x4e: {  	_ =	shalt  }

// kernel: kernel.3.cloned.1.call-start
scs
__scs_entry_jumppad:
0x0: {  	(pc) =	sbr.rel $0x88, $3  }
0x1: {  	(tag) =	ssettag $0x0;
	lr =	simm.s32 $0x1  }
0x2: {  	[smem:$0x3F9F] =	sst lr;
	_ =	strace $0xD0000000  }
0x3: {  	_ = 	snop  }
0x4: {  	_ = 	snop  }
0x5: {  	_ = 	snop  }
0x6: {  	_ = 	snop  }
0x7: {  	_ = 	snop  }
__scs_overlays_trampoline_lowered:
0x8: {  	[smem:$0x3FAE] =	sst s0  }
0x9: {  	[smem:$0x3FAF] =	sst s1  }
0xa: {  	[smem:$0x3FB0] =	sst s2  }
0xb: {  	[smem:$0x3FB1] =	sst s3  }
0xc: {  	[smem:$0x3FB2] =	sst s4  }
0xd: {  	[smem:$0x3FB3] =	sst s5  }
0xe: {  	[smem:$0x3FB4] =	sst s6  }
0xf: {  	[smem:$0x3FB5] =	sst s7  }
0x10: {  	[smem:$0x3FB6] =	sst s8  }
0x11: {  	[smem:$0x3FB7] =	sst s9;
	s0 =	simm.s32 @!p0 $0x0  }
0x12: {  	s1 =	sld [smem:$0x3F9D];
	s0 =	simm.s32 @p0 $0x1  }
0x13: {  	[smem:$0x3FB8] =	sst s0;
	s0 =	simm.s32 @!p1 $0x0  }
0x14: {  	s2 =	sld [smem:$0x3F9C];
	s0 =	simm.s32 @p1 $0x1  }
0x15: {  	[smem:$0x3FB9] =	sst s0;
	s0 =	simm.s32 @!p2 $0x0  }
0x16: {  	s3 =	sld [smem:$0x3FDB];
	s0 =	simm.s32 @p2 $0x1  }
0x17: {  	s4 =	simm.s32 $0x1BF5;
	[smem:$0x3FBB] =	sst s0  }
0x18: {  	s0 =	sld [smem:$0x3F9E];
	_ =	swait.ge [sflag:s4], $0x0  }
0x19: {  	s7 =	sld [smem:$0x3F9F]  }
0x1a: {  	s8 =	sadd.s32 $0xFFFFE003, lr  }
0x1b: {  	s9 =	sadd.s32 $0xFFFFFEF7, lr;
	s5 =	simm.s32 $0xFFFFFFFF;
	p2 =	slt.u32 s8, $0xFFFFF086  }
0x1c: {  	p1 =	slt.u32 s9, $0xF7A;
	s5 =	simm.s32 @!p2 $0x0  }
0x1d: {  	s5 =	simm.s32 @p1 $0x1;
	p0 =	seq.s32 s7, s2  }
0x1e: {  	s7 =	smul.u32 @!p0 $0xF7A, s2;
	p2 =	seq.s32 @!p0 s5, $0x0  }
0x1f: {  	s9 =	smul.u32 $0xF7A, s1;
	s8 =	simm.s32 @!p0 $0x1BF5;
	p2 =	por !p2, p0  }
0x20: {  	[sflag:s8] =	ssyncset.s32 @!p0 $0xFFFFF086;
	s6 =	sadd.s32 @!p0 s3, s7;
	s7 =	simm.s32 @!p0 $0x108  }
0x21: {  	s3 =	sadd.s32 s3, s9;
	s6 =	sadd.s32 @!p0 $0x88, s6;
	s7 =	simm.s32 @p2 $0x1082  }
0x22: {  	[simem:s7], [sflag:s8] =	dma.local @!p0 [hbm:s6], $0xF7A  }
0x23: {  	s9 =	sor.u32 $0xD0000000, s2;
	s6 =	simm.s32 $0x108;
	_ =	swait.ge @!p0 [sflag:s8], $0x0  }
0x24: {  	s3 =	sadd.s32 $0x88, s3;
	s6 =	simm.s32 @!p1 $0x1082;
	[sflag:s4] =	ssyncset.s32 $0xFFFFF086  }
0x25: {  	[simem:s6], [sflag:s4] =	dma.local [hbm:s3], $0xF7A  }
0x26: {  	[smem:$0x3F9F] =	sst s1;
	(tag) =	ssettag s2;
	_ =	strace s9  }
0x27: {  	s1 =	sld [smem:$0x3FAF]  }
0x28: {  	s2 =	sld [smem:$0x3FB0]  }
0x29: {  	s4 =	sld [smem:$0x3FB2]  }
0x2a: {  	p0 =	seq.s32 s5, $0x0;
	s5 =	sld [smem:$0x3FB3]  }
0x2b: {  	s6 =	sld [smem:$0x3FB4]  }
0x2c: {  	s7 =	sld [smem:$0x3FB5]  }
0x2d: {  	s3 =	simm.s32 $0x108;
	s8 =	sld [smem:$0x3FB6]  }
0x2e: {  	s3 =	simm.s32 @!p0 $0x1082;
	s9 =	sld [smem:$0x3FB7]  }
0x2f: {  	lr =	sadd.s32 s0, s3;
	s0 =	sld [smem:$0x3FAE]  }
0x30: {  	s3 =	sld [smem:$0x3FB1]  }
0x31: {  	[smem:$0x3FBA] =	sst s10  }
0x32: {  	s10 =	sld [smem:$0x3FB8];
	_ =	sdelay $0x3  }
0x33: {  	p0 =	seq.s32 s10, $0x1;
	s10 =	sld [smem:$0x3FBA];
	_ =	sdelay $0x3  }
0x34: {  	[smem:$0x3FBA] =	sst s10  }
0x35: {  	s10 =	sld [smem:$0x3FB9];
	_ =	sdelay $0x3  }
0x36: {  	p1 =	seq.s32 s10, $0x1;
	s10 =	sld [smem:$0x3FBA];
	_ =	sdelay $0x3  }
0x37: {  	[smem:$0x3FBA] =	sst s10  }
0x38: {  	s10 =	sld [smem:$0x3FBB]  }
0x39: {  	_ = 	snop;
	(pc) =	sbr.ind lr, $3  }
0x3a: {  	_ = 	snop  }
0x3b: {  	_ = 	snop  }
0x3c: {  	p2 =	seq.s32 s10, $0x1;
	s10 =	sld [smem:$0x3FBA]  }
0x3d: {  	_ =	shalt  }
0x3e: {  	_ =	shalt  }
0x3f: {  	_ =	shalt  }
0x40: {  	_ =	shalt  }
0x41: {  	_ =	shalt  }
0x42: {  	_ =	shalt  }
0x43: {  	_ =	shalt  }
0x44: {  	_ =	shalt  }
0x45: {  	_ =	shalt  }
0x46: {  	_ =	shalt  }
0x47: {  	_ =	shalt  }
0x48: {  	_ =	shalt  }
0x49: {  	_ =	shalt  }
0x4a: {  	_ =	shalt  }
0x4b: {  	_ =	shalt  }
0x4c: {  	_ =	shalt  }
0x4d: {  	_ =	shalt  }
0x4e: {  	_ =	shalt  }
0x4f: {  	_ =	shalt  }
0x50: {  	_ =	shalt  }
0x51: {  	_ =	shalt  }
0x52: {  	_ =	shalt  }
0x53: {  	_ =	shalt  }
0x54: {  	_ =	shalt  }
0x55: {  	_ =	shalt  }
0x56: {  	_ =	shalt  }
0x57: {  	_ =	shalt  }
0x58: {  	_ =	shalt  }
0x59: {  	_ =	shalt  }
0x5a: {  	_ =	shalt  }
0x5b: {  	_ =	shalt  }
0x5c: {  	_ =	shalt  }
0x5d: {  	_ =	shalt  }
0x5e: {  	_ =	shalt  }
0x5f: {  	_ =	shalt  }
0x60: {  	_ =	shalt  }
0x61: {  	_ =	shalt  }
0x62: {  	_ =	shalt  }
0x63: {  	_ =	shalt  }
0x64: {  	_ =	shalt  }
0x65: {  	_ =	shalt  }
0x66: {  	_ =	shalt  }
0x67: {  	_ =	shalt  }
0x68: {  	_ =	shalt  }
0x69: {  	_ =	shalt  }
0x6a: {  	_ =	shalt  }
0x6b: {  	_ =	shalt  }
0x6c: {  	_ =	shalt  }
0x6d: {  	_ =	shalt  }
0x6e: {  	_ =	shalt  }
0x6f: {  	_ =	shalt  }
0x70: {  	_ =	shalt  }
0x71: {  	_ =	shalt  }
0x72: {  	_ =	shalt  }
0x73: {  	_ =	shalt  }
0x74: {  	_ =	shalt  }
0x75: {  	_ =	shalt  }
0x76: {  	_ =	shalt  }
0x77: {  	_ =	shalt  }
0x78: {  	_ =	shalt  }
0x79: {  	_ =	shalt  }
0x7a: {  	_ =	shalt  }
0x7b: {  	_ =	shalt  }
0x7c: {  	_ =	shalt  }
0x7d: {  	_ =	shalt  }
0x7e: {  	_ =	shalt  }
0x7f: {  	_ =	shalt  }
0x80: {  	_ =	shalt  }
0x81: {  	_ =	shalt  }
0x82: {  	_ =	shalt  }
0x83: {  	_ =	shalt  }
0x84: {  	_ =	shalt  }
0x85: {  	_ =	shalt  }
0x86: {  	_ =	shalt  }
0x87: {  	_ =	shalt  }
.Lfunc_end0:
.L_simem_size_0:
called_computation.1_lowered:
.L_overlay_start_0:
0x88: {  	s2 =	sld [smem:$0x3FD9]  }
0x89: {  	s3 =	sld [smem:$0x3FFE];
	_ =	sdelay $0x1  }
0x8a: {  	s1 =	srdreg.scid  }
0x8b: {  	s0 =	sand.u32 $0x1, s1  }
0x8c: {  	s17 =	sshll.u32 s0, $0xA;
	s2 =	sadd.s32 s3, s2  }
0x8d: {  	s2 =	sadd.s32 s2, s17  }
0x8e: {  	[smem:$0x3FC6] =	sst s2  }
0x8f: {  	_ = 	snop  }
0x90: {  	s2 =	sld [smem:$0x3FC8]  }
0x91: {  	s18 =	sld [smem:$0x3FD0];
	(tm) =	ssettm $0x1  }
0x92: {  	s4 =	sld [smem:$0x3FFB];
	_ =	sdelay $0x3  }
0x93: {  	_ =	strace s4  }
0x94: {  	s4 =	sld [smem:$0x3FFC];
	_ =	sdelay $0x3  }
0x95: {  	_ =	strace s4  }
0x96: {  	s4 =	sld [smem:$0x3FFD];
	_ =	sdelay $0x3  }
0x97: {  	_ =	strace s4  }
0x98: {  	_ =	strace $0x8FFFFFFF  }
0x99: {  	s19 =	sld [smem:$0x3FDB];
	_ =	sdelay $0x1  }
0x9a: {  	s5 =	simm.s32 $_scs_section_size  }
0x9b: {  	s6 =	simm.s32 $_size__tile_overlayer_lowered;
	s7 =	simm.s32 $_tile_overlayer_lowered  }
0x9c: {  	s22 =	simm.s32 $0x1BFF;
	s21 =	sshll.u32 s7, $0x1;
	s4 =	sadd.s32 s5, s19  }
0x9d: {  	s8 =	simm.s32 $0x0;
	s20 =	sshll.u32 s6, $0x1;
	s6 =	sadd.s32 s21, s4  }
0x9e: {  	[timem:s8], [sflag:s22] =	dma.local [hbm:s6], s20  }
0x9f: {  	_ =	swait.ge [sflag:s22], s20  }
0xa0: {  	s5 =	ssub.s32 $0x0, s20;
	[sflag:s22] =	ssyncset.done $0x0  }
0xa1: {  	[sflag:s22] =	ssyncadd.s32 s5;
	_ =	sdelay $0x1  }
0xa2: {  	s23 =	simm.s32 $0x1B8B  }
0xa3: {  	_ =	swait.ge [sflag:s23], $0x1  }
0xa4: {  	[sflag:s23] =	ssyncset.done $0x0  }
0xa5: {  	s25 =	simm.s32 $0x1B8E;
	s24 =	sld [smem:$0x3FFE];
	[sflag:s23] =	ssyncadd.s32 $0xFFFFFFFF  }
0xa6: {  	s26 =	simm.s32 $execute0_lowered;
	[smem:$0x3FD2] =	sst s25  }
0xa7: {  	s6 =	sshll.u32 s26, $0x1;
	_ =	strace $0x80000049;
	[dreg:$0x1] =	wrdreg $0xFFFFFFFF  }
0xa8: {  	s28 =	simm.s32 $_size_execute0_lowered;
	s4 =	sadd.s32 s4, s6;
	[dreg:$0x0] =	wrdreg $0x0  }
0xa9: {  	s6 =	sshll.u32 s28, $0x1;
	[dreg:$0x2] =	wrdreg s4  }
0xaa: {  	[dreg:$0x3] =	wrdreg s6  }
0xab: {  	[dreg:$0x4] =	wrdreg $0xC0  }
0xac: {  	_ =	task [dreg:s8], $0x5FFFF  }
0xad: {  	[dreg:$0x1] =	wrdreg $0xFFFFFFFF  }
0xae: {  	[dreg:$0x0] =	wrdreg $0x60  }
0xaf: {  	[dreg:$0x2] =	wrdreg s24  }
0xb0: {  	[dreg:$0x3] =	wrdreg s2  }
0xb1: {  	[dreg:$0x4] =	wrdreg s18  }
0xb2: {  	[dreg:$0x5] =	wrdreg $0x9  }
0xb3: {  	_ =	task.clear_ibuf [dreg:s8], $0x6FFFF;
	_ =	strace $0x90000049  }
0xb4: {  	s29 =	simm.s32 $0x9;
	_ =	strace $0x8000004B  }
0xb5: {  	_ =	swait.ge [sflag:s29], $0x1  }
0xb6: {  	[sflag:s29] =	ssyncadd.s32 $0xFFFFFFFF  }
0xb7: {  	_ =	strace $0x9000004B  }
0xb8: {  	_ =	sfence  }
0xb9: {  	s30 =	sld [smem:$0x0];
	_ =	sdelay $0x2  }
0xba: {  	s31 =	sshll.u32 s1, $0xD;
	s1 =	sshrl.u32 s1, $0x2  }
0xbb: {  	s3 =	sand.u32 $0x4000, s31;
	s1 =	sadd.s32 s1, s30  }
0xbc: {  	s0 =	sor.u32 s3, s0;
	s1 =	sshll.u32 s1, $0x11  }
0xbd: {  	s0 =	sor.u32 s1, s0  }
0xbe: {  	s0 =	sadd.s32 $0x8F2B, s0  }
0xbf: {  	[sflag:s0] =	ssyncadd.remote.s32 $0x1  }
0xc0: {  	_ =	sfence.sel $0xFFFF  }
0xc1: {  	[dreg:$0x0] =	wrdreg $0xFFFFFFFF;
	(pc) =	sbr.abs _section_cstart, $3  }
0xc2: {  	[dreg:$0x1] =	wrdreg $0xFFFFFFFF  }
0xc3: {  	_ =	task.clear_ibuf [dreg:s8], $0x2FFFF;
	_ =	strace $0x9FFFFFFF  }
0xc4: {  	(tm) =	ssettm $0x7FFFFFFF  }
0xc5: {  	_ =	shalt  }
tec
execute0_lowered:
.L_overlay_start_1:
0x0: {  	(tag) =	ssettag $0x1  }
0x1: {  	s0 =	rddreg [dreg:$0x0]  }
0x2: {  	s7 =	rddreg [dreg:$0x1]  }
0x3: {  	s6 =	rddreg [dreg:$0x2];
	s4 =	simm.s32 $0x0  }
0x4: {  	[smem:$0x7FF] =	sst s4;
	s13 =	sadd.s32 $0x100, s6  }
0x5: {  	s15 =	sadd.s32 $0x200, s7;
	_ =	strace $0x8000004A;
	[dreg:$0x4] =	wrdreg s13  }
0x6: {  	s14 =	sadd.s32 $0x200, s6;
	[dreg:$0x17] =	wrdreg s15  }
0x7: {  	s17 =	sadd.s32 $0x300, s7;
	[dreg:$0x5] =	wrdreg s14  }
0x8: {  	s16 =	sadd.s32 $0x300, s6;
	[dreg:$0x18] =	wrdreg s17  }
0x9: {  	s19 =	sadd.s32 $0x400, s7;
	[dreg:$0x6] =	wrdreg s16  }
0xa: {  	s18 =	sadd.s32 $0x400, s6;
	[dreg:$0x19] =	wrdreg s19  }
0xb: {  	s21 =	sadd.s32 $0x500, s7;
	[dreg:$0x7] =	wrdreg s18  }
0xc: {  	s20 =	sadd.s32 $0x500, s6;
	[dreg:$0x1a] =	wrdreg s21  }
0xd: {  	s23 =	sadd.s32 $0x600, s7;
	[dreg:$0x8] =	wrdreg s20  }
0xe: {  	s22 =	sadd.s32 $0x600, s6;
	[dreg:$0x1b] =	wrdreg s23  }
0xf: {  	s25 =	sadd.s32 $0x700, s7;
	[dreg:$0x9] =	wrdreg s22  }
0x10: {  	s24 =	sadd.s32 $0x700, s6;
	[dreg:$0x1c] =	wrdreg s25  }
0x11: {  	s26 =	sadd.s32 $0x800, s6;
	[dreg:$0xa] =	wrdreg s24  }
0x12: {  	s9 =	sadd.s32 $0x900, s7;
	[dreg:$0xb] =	wrdreg s26  }
0x13: {  	s8 =	sadd.s32 $0x900, s6;
	[dreg:$0x1e] =	wrdreg s9  }
0x14: {  	s11 =	sadd.s32 $0xA00, s7;
	[dreg:$0xc] =	wrdreg s8  }
0x15: {  	s10 =	sadd.s32 $0xA00, s6;
	[dreg:$0x1f] =	wrdreg s11  }
0x16: {  	[dreg:$0xd] =	wrdreg s10;
	s13 =	sadd.s32 $0xB00, s7  }
0x17: {  	s1 =	srdreg.scid;
	s15 =	sadd.s32 $0xC00, s7;
	[smem:$0x7F5] =	sst s13  }
0x18: {  	s2 =	stileid.u32;
	s14 =	sadd.s32 $0xC00, s6;
	[smem:$0x7F6] =	sst s15  }
0x19: {  	s1 =	sand.u32 $0x1, s1;
	s17 =	sadd.s32 $0xD00, s7;
	[dreg:$0xf] =	wrdreg s14  }
0x1a: {  	s2 =	sshll.u32 s2, $0x1;
	s16 =	sadd.s32 $0xD00, s6;
	[smem:$0x7F7] =	sst s17  }
0x1b: {  	s28 =	sadd.s32 $0x1200, s6;
	s19 =	sadd.s32 $0xE00, s7;
	[dreg:$0x10] =	wrdreg s16  }
0x1c: {  	s29 =	sadd.s32 $0x3600, s7;
	s18 =	sadd.s32 $0xE00, s6;
	[smem:$0x7F8] =	sst s19  }
0x1d: {  	s30 =	sadd.s32 $0x2400, s6;
	s21 =	sadd.s32 $0xF00, s7;
	[dreg:$0x11] =	wrdreg s18  }
0x1e: {  	s2 =	sor.u32 s1, s2;
	s20 =	sadd.s32 $0xF00, s6;
	[smem:$0x7F9] =	sst s21  }
0x1f: {  	s1 =	ssub.s32 $0x2, s1;
	s23 =	sadd.s32 $0x1000, s7;
	[dreg:$0x12] =	wrdreg s20  }
0x20: {  	s22 =	sadd.s32 $0x1000, s6;
	s24 =	sadd.s32 $0x1100, s6;
	[smem:$0x7FA] =	sst s23  }
0x21: {  	s25 =	sadd.s32 $0x1100, s7;
	s3 =	sshll.u32 s2, $0x8;
	[dreg:$0x13] =	wrdreg s22  }
0x22: {  	s5 =	sshrl.u32 s1, $0x1;
	s2 =	sshll.u32 s2, $0x4;
	[smem:$0x7FB] =	sst s25  }
0x23: {  	[dreg:$0x14] =	wrdreg s24;
	s3 =	sadd.s32 s3, s0;
	s0 =	sadd.s32 s0, s2  }
0x24: {  	s1 =	ssub.s32 s1, s5;
	s5 =	sadd.s32 $0x800, s7;
	[dreg:$0x15] =	wrdreg s0  }
0x25: {  	s31 =	sadd.s32 $0x3600, s6;
	s12 =	sadd.s32 $0x400, s3;
	[dreg:$0x1d] =	wrdreg s5  }
0x26: {  	s24 =	sadd.s32 $0x1200, s7;
	s26 =	smax.u32 s1, $0x1;
	[dreg:$0x16] =	wrdreg s12  }
0x27: {  	v0 =	vlaneseq.u32;
	s25 =	simm.s32 $0x2;
	s3 =	sadd.s32 $0x100, s7;
	[smem:$0x7FC] =	sst s26  }
0x28: {  	v1 =	vshrl.u32 v0, $0x3;
	s2 =	simm.s32 $0x1;
	s12 =	sadd.s32 $0xB00, s6;
	[smem:$0x7FD] =	sst s3  }
0x29: {  	vm0 =	vmmov $0xffff;
	v0 =	vand.u32 $0x7, v0;
	v1 =	vmul.u32 $0x8, v1;
	s0 =	simm.s32 $0x0;
	s26 =	sadd.s32 $0x2400, s7;
	[dreg:$0xe] =	wrdreg s12  }
.LBB2_1:
0x2a: {  	[smem:$0x7F4] =	sst s0  }
0x2b: {  	s16 =	rddreg [dreg:$0x15];
	s18 =	simm.s32 $0x5  }
0x2c: {  	[tilespmem:s4], [sflag:$0x5] =	stream.linear.gather [hbm4b:s16+s4], $0x80, $0x38;
	[tilespmem:$0x12880] =	vst v63  }
0x2d: {  	_ =	swait.ge [sflag:s18], $0x80  }
0x2e: {  	[sflag:s18] =	ssyncset.done $0x0  }
0x2f: {  	s16 =	simm.s32 $0x80;
	s17 =	rddreg [dreg:$0x16];
	[sflag:s18] =	ssyncadd.s32 $0xFFFFFF80  }
0x30: {  	[tilespmem:s16], [sflag:$0x5] =	stream.linear.gather [hbm4b:s17+s4], $0x800, $0x38;
	[tilespmem:$0x12880] =	vst v63  }
0x31: {  	_ =	swait.ge [sflag:s18], $0x800  }
0x32: {  	[sflag:s18] =	ssyncset.done $0x0  }
0x33: {  	[sflag:s18] =	ssyncadd.s32 $0xFFFFF800  }
0x34: {  	v2 =	vld.msk [tilespmem:$0x0], $0xff;
	_ =	sdelay $0x4  }
0x35: {  	v3 =	vshrl.u32 v2, $0x3  }
0x36: {  	v3 =	vmul.u32 $0x480, v3  }
0x37: {  	v2 =	vand.u32 $0x7, v2  }
0x38: {  	v2 =	vor.u32 v2, v3  }
0x39: {  	v2 =	vperm.xlane v2, v0;
	_ =	sdelay $0x1  }
0x3a: {  	v2 =	vadd.s32 v1, v2;
	_ =	sdelay $0x3  }
0x3b: {  	s10 =	simm.s32 $0x880  }
0x3c: {  	[tilespmem:s10], [sflag:$0x1] =	stream.indirect_vreg.gather [hbm4b:s7+s4], $0x80, v2, vm0, $0xb8;
	[tilespmem:$0x12880] =	vst v63  }
0x3d: {  	s11 =	simm.s32 $0x1080;
	s12 =	rddreg [dreg:$0x17]  }
0x3e: {  	[tilespmem:s11], [sflag:$0x1] =	stream.indirect_vreg.gather [hbm4b:s3+s4], $0x80, v2, vm0, $0xb8;
	[tilespmem:$0x12880] =	vst v63  }
0x3f: {  	s1 =	simm.s32 $0x1880;
	s13 =	rddreg [dreg:$0x18]  }
0x40: {  	[tilespmem:s1], [sflag:$0x1] =	stream.indirect_vreg.gather [hbm4b:s12+s4], $0x80, v2, vm0, $0xb8;
	[tilespmem:$0x12880] =	vst v63  }
0x41: {  	s14 =	simm.s32 $0x2080;
	s15 =	rddreg [dreg:$0x19]  }
0x42: {  	[tilespmem:s14], [sflag:$0x1] =	stream.indirect_vreg.gather [hbm4b:s13+s4], $0x80, v2, vm0, $0xb8;
	[tilespmem:$0x12880] =	vst v63  }
0x43: {  	s17 =	simm.s32 $0x2880;
	s20 =	rddreg [dreg:$0x1b]  }
0x44: {  	[tilespmem:s17], [sflag:$0x1] =	stream.indirect_vreg.gather [hbm4b:s15+s4], $0x80, v2, vm0, $0xb8;
	[tilespmem:$0x12880] =	vst v63  }
0x45: {  	s19 =	simm.s32 $0x3080;
	s18 =	rddreg [dreg:$0x1a]  }
0x46: {  	[tilespmem:s19], [sflag:$0x1] =	stream.indirect_vreg.gather [hbm4b:s18+s4], $0x80, v2, vm0, $0xb8;
	[tilespmem:$0x12880] =	vst v63  }
0x47: {  	s21 =	simm.s32 $0x3880;
	s22 =	rddreg [dreg:$0x1c]  }
0x48: {  	[tilespmem:s21], [sflag:$0x1] =	stream.indirect_vreg.gather [hbm4b:s20+s4], $0x80, v2, vm0, $0xb8;
	[tilespmem:$0x12880] =	vst v63  }
0x49: {  	s23 =	simm.s32 $0x4080;
	s5 =	rddreg [dreg:$0x1e]  }
0x4a: {  	[tilespmem:s23], [sflag:$0x1] =	stream.indirect_vreg.gather [hbm4b:s22+s4], $0x80, v2, vm0, $0xb8;
	[tilespmem:$0x12880] =	vst v63  }
0x4b: {  	s3 =	simm.s32 $0x4880;
	s1 =	rddreg [dreg:$0x1d]  }
0x4c: {  	[tilespmem:s3], [sflag:$0x1] =	stream.indirect_vreg.gather [hbm4b:s1+s4], $0x80, v2, vm0, $0xb8;
	[tilespmem:$0x12880] =	vst v63  }
0x4d: {  	s6 =	simm.s32 $0x5080;
	s9 =	sld [smem:$0x7F5]  }
0x4e: {  	[tilespmem:s6], [sflag:$0x1] =	stream.indirect_vreg.gather [hbm4b:s5+s4], $0x80, v2, vm0, $0xb8;
	[tilespmem:$0x12880] =	vst v63  }
0x4f: {  	s8 =	simm.s32 $0x5880;
	s7 =	rddreg [dreg:$0x1f]  }
0x50: {  	[tilespmem:s8], [sflag:$0x1] =	stream.indirect_vreg.gather [hbm4b:s7+s4], $0x80, v2, vm0, $0xb8;
	[tilespmem:$0x12880] =	vst v63  }
0x51: {  	s10 =	simm.s32 $0x6080;
	s11 =	sld [smem:$0x7F6]  }
0x52: {  	[tilespmem:s10], [sflag:$0x1] =	stream.indirect_vreg.gather [hbm4b:s9+s4], $0x80, v2, vm0, $0xb8;
	[tilespmem:$0x12880] =	vst v63  }
0x53: {  	s12 =	simm.s32 $0x6880;
	s13 =	sld [smem:$0x7F7]  }
0x54: {  	[tilespmem:s12], [sflag:$0x1] =	stream.indirect_vreg.gather [hbm4b:s11+s4], $0x80, v2, vm0, $0xb8;
	[tilespmem:$0x12880] =	vst v63  }
0x55: {  	s14 =	simm.s32 $0x7080;
	s15 =	sld [smem:$0x7F8]  }
0x56: {  	[tilespmem:s14], [sflag:$0x1] =	stream.indirect_vreg.gather [hbm4b:s13+s4], $0x80, v2, vm0, $0xb8;
	[tilespmem:$0x12880] =	vst v63  }
0x57: {  	s17 =	simm.s32 $0x7880;
	s18 =	sld [smem:$0x7F9]  }
0x58: {  	[tilespmem:s17], [sflag:$0x1] =	stream.indirect_vreg.gather [hbm4b:s15+s4], $0x80, v2, vm0, $0xb8;
	[tilespmem:$0x12880] =	vst v63  }
0x59: {  	s19 =	simm.s32 $0x8080;
	s20 =	sld [smem:$0x7FA]  }
0x5a: {  	[tilespmem:s19], [sflag:$0x1] =	stream.indirect_vreg.gather [hbm4b:s18+s4], $0x80, v2, vm0, $0xb8;
	[tilespmem:$0x12880] =	vst v63  }
0x5b: {  	s21 =	simm.s32 $0x8880;
	s22 =	sld [smem:$0x7FB]  }
0x5c: {  	[tilespmem:s21], [sflag:$0x1] =	stream.indirect_vreg.gather [hbm4b:s20+s4], $0x80, v2, vm0, $0xb8;
	[tilespmem:$0x12880] =	vst v63  }
0x5d: {  	s23 =	simm.s32 $0x9080;
	s17 =	simm.s32 $0x0  }
0x5e: {  	[tilespmem:s23], [sflag:$0x1] =	stream.indirect_vreg.gather [hbm4b:s22+s4], $0x80, v2, vm0, $0xb8;
	[tilespmem:$0x12880] =	vst v63  }
.LBB2_2:
0x5f: {  	p0 =	seq.s32 s17, $0x0  }
0x60: {  	s15 =	simm.s32 @!p0 $0x4  }
0x61: {  	_ =	swait.ge @!p0 [sflag:s15], $0x9000  }
0x62: {  	s18 =	sshra.s32 @!p0 s17, $0x2;
	[sflag:s15] =	ssyncset.done @!p0 $0x0  }
0x63: {  	s18 =	simm.s32 @p0 $0x0;
	[sflag:s15] =	ssyncadd.s32 @!p0 $0xFFFF7000  }
0x64: {  	v2 =	vld.msk [tilespmem:s18+$0x0], $0xff;
	_ =	sdelay $0x4  }
0x65: {  	v3 =	vshrl.u32 v2, $0x3  }
0x66: {  	v3 =	vmul.u32 $0x480, v3  }
0x67: {  	v2 =	vand.u32 $0x7, v2  }
0x68: {  	v2 =	vor.u32 v2, v3  }
0x69: {  	v2 =	vperm.xlane v2, v0;
	_ =	sdelay $0x1  }
0x6a: {  	v2 =	vadd.s32 v1, v2;
	_ =	sdelay $0x3  }
0x6b: {  	s0 =	simm.s32 $0x9880  }
0x6c: {  	[tilespmem:s0], [sflag:$0x2] =	stream.indirect_vreg.gather [hbm4b:s24+s4], $0x80, v2, vm0, $0xb8;
	[tilespmem:$0x12880] =	vst v63  }
0x6d: {  	s7 =	sadd.s32 $0x100, s24;
	s8 =	simm.s32 $0xA080  }
0x6e: {  	[tilespmem:s8], [sflag:$0x2] =	stream.indirect_vreg.gather [hbm4b:s7+s4], $0x80, v2, vm0, $0xb8;
	[tilespmem:$0x12880] =	vst v63  }
0x6f: {  	s9 =	sadd.s32 $0x200, s24;
	s10 =	simm.s32 $0xA880  }
0x70: {  	[tilespmem:s10], [sflag:$0x2] =	stream.indirect_vreg.gather [hbm4b:s9+s4], $0x80, v2, vm0, $0xb8;
	[tilespmem:$0x12880] =	vst v63  }
0x71: {  	s11 =	sadd.s32 $0x300, s24;
	s12 =	simm.s32 $0xB080  }
0x72: {  	[tilespmem:s12], [sflag:$0x2] =	stream.indirect_vreg.gather [hbm4b:s11+s4], $0x80, v2, vm0, $0xb8;
	[tilespmem:$0x12880] =	vst v63  }
0x73: {  	s13 =	sadd.s32 $0x400, s24;
	s14 =	simm.s32 $0xB880  }
0x74: {  	[tilespmem:s14], [sflag:$0x2] =	stream.indirect_vreg.gather [hbm4b:s13+s4], $0x80, v2, vm0, $0xb8;
	[tilespmem:$0x12880] =	vst v63  }
0x75: {  	s19 =	simm.s32 $0xC080;
	s18 =	sadd.s32 $0x500, s24  }
0x76: {  	[tilespmem:s19], [sflag:$0x2] =	stream.indirect_vreg.gather [hbm4b:s18+s4], $0x80, v2, vm0, $0xb8;
	[tilespmem:$0x12880] =	vst v63  }
0x77: {  	s20 =	sadd.s32 $0x600, s24;
	s21 =	simm.s32 $0xC880  }
0x78: {  	[tilespmem:s21], [sflag:$0x2] =	stream.indirect_vreg.gather [hbm4b:s20+s4], $0x80, v2, vm0, $0xb8;
	[tilespmem:$0x12880] =	vst v63  }
0x79: {  	s22 =	sadd.s32 $0x700, s24;
	s23 =	simm.s32 $0xD080  }
0x7a: {  	[tilespmem:s23], [sflag:$0x2] =	stream.indirect_vreg.gather [hbm4b:s22+s4], $0x80, v2, vm0, $0xb8;
	[tilespmem:$0x12880] =	vst v63  }
0x7b: {  	s1 =	sadd.s32 $0x800, s24;
	s3 =	simm.s32 $0xD880  }
0x7c: {  	[tilespmem:s3], [sflag:$0x2] =	stream.indirect_vreg.gather [hbm4b:s1+s4], $0x80, v2, vm0, $0xb8;
	[tilespmem:$0x12880] =	vst v63  }
0x7d: {  	s5 =	sadd.s32 $0x900, s24;
	s6 =	simm.s32 $0xE080  }
0x7e: {  	[tilespmem:s6], [sflag:$0x2] =	stream.indirect_vreg.gather [hbm4b:s5+s4], $0x80, v2, vm0, $0xb8;
	[tilespmem:$0x12880] =	vst v63  }
0x7f: {  	s7 =	sadd.s32 $0xA00, s24;
	s8 =	simm.s32 $0xE880  }
0x80: {  	[tilespmem:s8], [sflag:$0x2] =	stream.indirect_vreg.gather [hbm4b:s7+s4], $0x80, v2, vm0, $0xb8;
	[tilespmem:$0x12880] =	vst v63  }
0x81: {  	s9 =	sadd.s32 $0xB00, s24;
	s10 =	simm.s32 $0xF080  }
0x82: {  	[tilespmem:s10], [sflag:$0x2] =	stream.indirect_vreg.gather [hbm4b:s9+s4], $0x80, v2, vm0, $0xb8;
	[tilespmem:$0x12880] =	vst v63  }
0x83: {  	s11 =	sadd.s32 $0xC00, s24;
	s12 =	simm.s32 $0xF880  }
0x84: {  	[tilespmem:s12], [sflag:$0x2] =	stream.indirect_vreg.gather [hbm4b:s11+s4], $0x80, v2, vm0, $0xb8;
	[tilespmem:$0x12880] =	vst v63  }
0x85: {  	s13 =	sadd.s32 $0xD00, s24;
	s14 =	simm.s32 $0x10080  }
0x86: {  	[tilespmem:s14], [sflag:$0x2] =	stream.indirect_vreg.gather [hbm4b:s13+s4], $0x80, v2, vm0, $0xb8;
	[tilespmem:$0x12880] =	vst v63  }
0x87: {  	s18 =	sadd.s32 $0xE00, s24;
	s19 =	simm.s32 $0x10880  }
0x88: {  	[tilespmem:s19], [sflag:$0x2] =	stream.indirect_vreg.gather [hbm4b:s18+s4], $0x80, v2, vm0, $0xb8;
	[tilespmem:$0x12880] =	vst v63  }
0x89: {  	s20 =	sadd.s32 $0xF00, s24;
	s21 =	simm.s32 $0x11080  }
0x8a: {  	[tilespmem:s21], [sflag:$0x2] =	stream.indirect_vreg.gather [hbm4b:s20+s4], $0x80, v2, vm0, $0xb8;
	[tilespmem:$0x12880] =	vst v63  }
0x8b: {  	s22 =	sadd.s32 $0x1000, s24;
	s23 =	simm.s32 $0x11880  }
0x8c: {  	[tilespmem:s23], [sflag:$0x2] =	stream.indirect_vreg.gather [hbm4b:s22+s4], $0x80, v2, vm0, $0xb8;
	[tilespmem:$0x12880] =	vst v63  }
0x8d: {  	s0 =	sadd.s32 $0x1100, s24;
	s1 =	simm.s32 $0x12080  }
0x8e: {  	[tilespmem:s1], [sflag:$0x2] =	stream.indirect_vreg.gather [hbm4b:s0+s4], $0x80, v2, vm0, $0xb8;
	[tilespmem:$0x12880] =	vst v63  }
0x8f: {  	_ =	swait.ge [sflag:s2], $0x9000  }
0x90: {  	[sflag:s2] =	ssyncset.done $0x0  }
0x91: {  	[sflag:s2] =	ssyncadd.s32 $0xFFFF7000  }
0x92: {  	v2 =	vld.msk [tilespmem:s16+$0x0], $0xff;
	_ =	sdelay $0x4  }
0x93: {  	v3 =	vshrl.u32 v2, $0x3  }
0x94: {  	v3 =	vmul.u32 $0x480, v3  }
0x95: {  	v2 =	vand.u32 $0x7, v2  }
0x96: {  	v2 =	vor.u32 v2, v3  }
0x97: {  	v2 =	vperm.xlane v2, v0;
	_ =	sdelay $0x1  }
0x98: {  	v2 =	vadd.s32 v1, v2;
	_ =	sdelay $0x3  }
0x99: {  	s1 =	simm.s32 $0x880;
	s5 =	rddreg [dreg:$0x2]  }
0x9a: {  	[hbm4b:s5+s4] =	stream.indirect_vreg.scatter [tilespmem:s1], [sflag:$0x3], $0x80, v2, vm0, $0xb8;
	[tilespmem:$0x12880] =	vst v63  }
0x9b: {  	s7 =	simm.s32 $0x1080;
	s3 =	rddreg [dreg:$0x4]  }
0x9c: {  	[hbm4b:s3+s4] =	stream.indirect_vreg.scatter [tilespmem:s7], [sflag:$0x3], $0x80, v2, vm0, $0xb8;
	[tilespmem:$0x12880] =	vst v63  }
0x9d: {  	s9 =	simm.s32 $0x1880;
	s6 =	rddreg [dreg:$0x5]  }
0x9e: {  	[hbm4b:s6+s4] =	stream.indirect_vreg.scatter [tilespmem:s9], [sflag:$0x3], $0x80, v2, vm0, $0xb8;
	[tilespmem:$0x12880] =	vst v63  }
0x9f: {  	s11 =	simm.s32 $0x2080;
	s8 =	rddreg [dreg:$0x6]  }
0xa0: {  	[hbm4b:s8+s4] =	stream.indirect_vreg.scatter [tilespmem:s11], [sflag:$0x3], $0x80, v2, vm0, $0xb8;
	[tilespmem:$0x12880] =	vst v63  }
0xa1: {  	s13 =	simm.s32 $0x2880;
	s10 =	rddreg [dreg:$0x7]  }
0xa2: {  	[hbm4b:s10+s4] =	stream.indirect_vreg.scatter [tilespmem:s13], [sflag:$0x3], $0x80, v2, vm0, $0xb8;
	[tilespmem:$0x12880] =	vst v63  }
0xa3: {  	s19 =	simm.s32 $0x3080;
	s12 =	rddreg [dreg:$0x8]  }
0xa4: {  	[hbm4b:s12+s4] =	stream.indirect_vreg.scatter [tilespmem:s19], [sflag:$0x3], $0x80, v2, vm0, $0xb8;
	[tilespmem:$0x12880] =	vst v63  }
0xa5: {  	s21 =	simm.s32 $0x3880;
	s14 =	rddreg [dreg:$0x9]  }
0xa6: {  	[hbm4b:s14+s4] =	stream.indirect_vreg.scatter [tilespmem:s21], [sflag:$0x3], $0x80, v2, vm0, $0xb8;
	[tilespmem:$0x12880] =	vst v63  }
0xa7: {  	s23 =	simm.s32 $0x4080;
	s20 =	rddreg [dreg:$0xa]  }
0xa8: {  	[hbm4b:s20+s4] =	stream.indirect_vreg.scatter [tilespmem:s23], [sflag:$0x3], $0x80, v2, vm0, $0xb8;
	[tilespmem:$0x12880] =	vst v63  }
0xa9: {  	s22 =	rddreg [dreg:$0xb];
	s12 =	simm.s32 $0x4880  }
0xaa: {  	[hbm4b:s22+s4] =	stream.indirect_vreg.scatter [tilespmem:s12], [sflag:$0x3], $0x80, v2, vm0, $0xb8;
	[tilespmem:$0x12880] =	vst v63  }
0xab: {  	s1 =	rddreg [dreg:$0xc];
	s19 =	simm.s32 $0x5080  }
0xac: {  	[hbm4b:s1+s4] =	stream.indirect_vreg.scatter [tilespmem:s19], [sflag:$0x3], $0x80, v2, vm0, $0xb8;
	[tilespmem:$0x12880] =	vst v63  }
0xad: {  	s13 =	rddreg [dreg:$0xd];
	s21 =	simm.s32 $0x5880  }
0xae: {  	[hbm4b:s13+s4] =	stream.indirect_vreg.scatter [tilespmem:s21], [sflag:$0x3], $0x80, v2, vm0, $0xb8;
	[tilespmem:$0x12880] =	vst v63  }
0xaf: {  	s20 =	rddreg [dreg:$0xe];
	s12 =	simm.s32 $0x6080  }
0xb0: {  	[hbm4b:s20+s4] =	stream.indirect_vreg.scatter [tilespmem:s12], [sflag:$0x3], $0x80, v2, vm0, $0xb8;
	[tilespmem:$0x12880] =	vst v63  }
0xb1: {  	s23 =	rddreg [dreg:$0xf];
	s19 =	simm.s32 $0x6880  }
0xb2: {  	[hbm4b:s23+s4] =	stream.indirect_vreg.scatter [tilespmem:s19], [sflag:$0x3], $0x80, v2, vm0, $0xb8;
	[tilespmem:$0x12880] =	vst v63  }
0xb3: {  	s13 =	rddreg [dreg:$0x10];
	s20 =	simm.s32 $0x7080  }
0xb4: {  	[hbm4b:s13+s4] =	stream.indirect_vreg.scatter [tilespmem:s20], [sflag:$0x3], $0x80, v2, vm0, $0xb8;
	[tilespmem:$0x12880] =	vst v63  }
0xb5: {  	s18 =	rddreg [dreg:$0x11];
	s19 =	simm.s32 $0x7880  }
0xb6: {  	[hbm4b:s18+s4] =	stream.indirect_vreg.scatter [tilespmem:s19], [sflag:$0x3], $0x80, v2, vm0, $0xb8;
	[tilespmem:$0x12880] =	vst v63  }
0xb7: {  	s23 =	rddreg [dreg:$0x12];
	s20 =	simm.s32 $0x8080  }
0xb8: {  	[hbm4b:s23+s4] =	stream.indirect_vreg.scatter [tilespmem:s20], [sflag:$0x3], $0x80, v2, vm0, $0xb8;
	[tilespmem:$0x12880] =	vst v63  }
0xb9: {  	s18 =	rddreg [dreg:$0x13];
	s23 =	simm.s32 $0x8880  }
0xba: {  	[hbm4b:s18+s4] =	stream.indirect_vreg.scatter [tilespmem:s23], [sflag:$0x3], $0x80, v2, vm0, $0xb8;
	[tilespmem:$0x12880] =	vst v63  }
0xbb: {  	s15 =	rddreg [dreg:$0x14];
	s14 =	simm.s32 $0x3;
	s18 =	simm.s32 $0x9080  }
0xbc: {  	[hbm4b:s15+s4] =	stream.indirect_vreg.scatter [tilespmem:s18], [sflag:$0x3], $0x80, v2, vm0, $0xb8;
	[tilespmem:$0x12880] =	vst v63  }
0xbd: {  	s15 =	smov.u32 s17;
	_ =	swait.ge [sflag:s14], $0x9000  }
0xbe: {  	s15 =	simm.s32 @p0 $0x0;
	[sflag:s14] =	ssyncset.done $0x0  }
0xbf: {  	s15 =	sshra.s32 s15, $0x2;
	[sflag:s14] =	ssyncadd.s32 $0xFFFF7000  }
0xc0: {  	v2 =	vld.msk [tilespmem:s15+$0x0], $0xff;
	_ =	sdelay $0x4  }
0xc1: {  	v3 =	vshrl.u32 v2, $0x3  }
0xc2: {  	v3 =	vmul.u32 $0x480, v3  }
0xc3: {  	v2 =	vand.u32 $0x7, v2  }
0xc4: {  	v2 =	vor.u32 v2, v3  }
0xc5: {  	v2 =	vperm.xlane v2, v0;
	_ =	sdelay $0x1  }
0xc6: {  	v2 =	vadd.s32 v1, v2;
	_ =	sdelay $0x3  }
0xc7: {  	s2 =	simm.s32 $0x880  }
0xc8: {  	[tilespmem:s2], [sflag:$0x1] =	stream.indirect_vreg.gather [hbm4b:s26+s4], $0x80, v2, vm0, $0xb8;
	[tilespmem:$0x12880] =	vst v63  }
0xc9: {  	s3 =	simm.s32 $0x1080;
	s2 =	sadd.s32 $0x100, s26  }
0xca: {  	[tilespmem:s3], [sflag:$0x1] =	stream.indirect_vreg.gather [hbm4b:s2+s4], $0x80, v2, vm0, $0xb8;
	[tilespmem:$0x12880] =	vst v63  }
0xcb: {  	s5 =	simm.s32 $0x1880;
	s3 =	sadd.s32 $0x200, s26  }
0xcc: {  	[tilespmem:s5], [sflag:$0x1] =	stream.indirect_vreg.gather [hbm4b:s3+s4], $0x80, v2, vm0, $0xb8;
	[tilespmem:$0x12880] =	vst v63  }
0xcd: {  	s6 =	simm.s32 $0x2080;
	s5 =	sadd.s32 $0x300, s26  }
0xce: {  	[tilespmem:s6], [sflag:$0x1] =	stream.indirect_vreg.gather [hbm4b:s5+s4], $0x80, v2, vm0, $0xb8;
	[tilespmem:$0x12880] =	vst v63  }
0xcf: {  	s7 =	simm.s32 $0x2880;
	s6 =	sadd.s32 $0x400, s26  }
0xd0: {  	[tilespmem:s7], [sflag:$0x1] =	stream.indirect_vreg.gather [hbm4b:s6+s4], $0x80, v2, vm0, $0xb8;
	[tilespmem:$0x12880] =	vst v63  }
0xd1: {  	s8 =	simm.s32 $0x3080;
	s7 =	sadd.s32 $0x500, s26  }
0xd2: {  	[tilespmem:s8], [sflag:$0x1] =	stream.indirect_vreg.gather [hbm4b:s7+s4], $0x80, v2, vm0, $0xb8;
	[tilespmem:$0x12880] =	vst v63  }
0xd3: {  	s9 =	simm.s32 $0x3880;
	s14 =	sadd.s32 $0x600, s26  }
0xd4: {  	[tilespmem:s9], [sflag:$0x1] =	stream.indirect_vreg.gather [hbm4b:s14+s4], $0x80, v2, vm0, $0xb8;
	[tilespmem:$0x12880] =	vst v63  }
0xd5: {  	s10 =	simm.s32 $0x4080;
	s2 =	sadd.s32 $0x700, s26  }
0xd6: {  	[tilespmem:s10], [sflag:$0x1] =	stream.indirect_vreg.gather [hbm4b:s2+s4], $0x80, v2, vm0, $0xb8;
	[tilespmem:$0x12880] =	vst v63  }
0xd7: {  	s11 =	simm.s32 $0x4880;
	s3 =	sadd.s32 $0x800, s26  }
0xd8: {  	[tilespmem:s11], [sflag:$0x1] =	stream.indirect_vreg.gather [hbm4b:s3+s4], $0x80, v2, vm0, $0xb8;
	[tilespmem:$0x12880] =	vst v63  }
0xd9: {  	s22 =	simm.s32 $0x5080;
	s5 =	sadd.s32 $0x900, s26  }
0xda: {  	[tilespmem:s22], [sflag:$0x1] =	stream.indirect_vreg.gather [hbm4b:s5+s4], $0x80, v2, vm0, $0xb8;
	[tilespmem:$0x12880] =	vst v63  }
0xdb: {  	s1 =	simm.s32 $0x5880;
	s6 =	sadd.s32 $0xA00, s26  }
0xdc: {  	[tilespmem:s1], [sflag:$0x1] =	stream.indirect_vreg.gather [hbm4b:s6+s4], $0x80, v2, vm0, $0xb8;
	[tilespmem:$0x12880] =	vst v63  }
0xdd: {  	s21 =	simm.s32 $0x6080;
	s7 =	sadd.s32 $0xB00, s26  }
0xde: {  	[tilespmem:s21], [sflag:$0x1] =	stream.indirect_vreg.gather [hbm4b:s7+s4], $0x80, v2, vm0, $0xb8;
	[tilespmem:$0x12880] =	vst v63  }
0xdf: {  	s12 =	simm.s32 $0x6880;
	s8 =	sadd.s32 $0xC00, s26  }
0xe0: {  	[tilespmem:s12], [sflag:$0x1] =	stream.indirect_vreg.gather [hbm4b:s8+s4], $0x80, v2, vm0, $0xb8;
	[tilespmem:$0x12880] =	vst v63  }
0xe1: {  	s13 =	simm.s32 $0x7080;
	s9 =	sadd.s32 $0xD00, s26  }
0xe2: {  	[tilespmem:s13], [sflag:$0x1] =	stream.indirect_vreg.gather [hbm4b:s9+s4], $0x80, v2, vm0, $0xb8;
	[tilespmem:$0x12880] =	vst v63  }
0xe3: {  	s19 =	simm.s32 $0x7880;
	s10 =	sadd.s32 $0xE00, s26  }
0xe4: {  	[tilespmem:s19], [sflag:$0x1] =	stream.indirect_vreg.gather [hbm4b:s10+s4], $0x80, v2, vm0, $0xb8;
	[tilespmem:$0x12880] =	vst v63  }
0xe5: {  	s20 =	simm.s32 $0x8080;
	s11 =	sadd.s32 $0xF00, s26  }
0xe6: {  	[tilespmem:s20], [sflag:$0x1] =	stream.indirect_vreg.gather [hbm4b:s11+s4], $0x80, v2, vm0, $0xb8;
	[tilespmem:$0x12880] =	vst v63  }
0xe7: {  	s23 =	simm.s32 $0x8880;
	s12 =	sadd.s32 $0x1000, s26  }
0xe8: {  	[tilespmem:s23], [sflag:$0x1] =	stream.indirect_vreg.gather [hbm4b:s12+s4], $0x80, v2, vm0, $0xb8;
	[tilespmem:$0x12880] =	vst v63  }
0xe9: {  	s0 =	simm.s32 $0x9080;
	s13 =	sadd.s32 $0x1100, s26  }
0xea: {  	[tilespmem:s0], [sflag:$0x1] =	stream.indirect_vreg.gather [hbm4b:s13+s4], $0x80, v2, vm0, $0xb8;
	[tilespmem:$0x12880] =	vst v63  }
0xeb: {  	_ =	swait.ge [sflag:s25], $0x9000  }
0xec: {  	[sflag:s25] =	ssyncset.done $0x0  }
0xed: {  	[sflag:s25] =	ssyncadd.s32 $0xFFFF7000  }
0xee: {  	v2 =	vld.msk [tilespmem:s16+$0x0], $0xff;
	_ =	sdelay $0x4  }
0xef: {  	v3 =	vshrl.u32 v2, $0x3  }
0xf0: {  	v3 =	vmul.u32 $0x480, v3  }
0xf1: {  	v2 =	vand.u32 $0x7, v2  }
0xf2: {  	v2 =	vor.u32 v2, v3  }
0xf3: {  	v2 =	vperm.xlane v2, v0;
	_ =	sdelay $0x1  }
0xf4: {  	v2 =	vadd.s32 v1, v2;
	_ =	sdelay $0x3  }
0xf5: {  	s22 =	simm.s32 $0x9880  }
0xf6: {  	[hbm4b:s28+s4] =	stream.indirect_vreg.scatter [tilespmem:s22], [sflag:$0x4], $0x80, v2, vm0, $0xb8;
	[tilespmem:$0x12880] =	vst v63  }
0xf7: {  	s14 =	sadd.s32 $0x100, s28;
	s21 =	simm.s32 $0xA080  }
0xf8: {  	[hbm4b:s14+s4] =	stream.indirect_vreg.scatter [tilespmem:s21], [sflag:$0x4], $0x80, v2, vm0, $0xb8;
	[tilespmem:$0x12880] =	vst v63  }
0xf9: {  	s19 =	sadd.s32 $0x200, s28;
	s20 =	simm.s32 $0xA880  }
0xfa: {  	[hbm4b:s19+s4] =	stream.indirect_vreg.scatter [tilespmem:s20], [sflag:$0x4], $0x80, v2, vm0, $0xb8;
	[tilespmem:$0x12880] =	vst v63  }
0xfb: {  	s23 =	sadd.s32 $0x300, s28;
	s19 =	simm.s32 $0xB080  }
0xfc: {  	[hbm4b:s23+s4] =	stream.indirect_vreg.scatter [tilespmem:s19], [sflag:$0x4], $0x80, v2, vm0, $0xb8;
	[tilespmem:$0x12880] =	vst v63  }
0xfd: {  	s0 =	sadd.s32 $0x400, s28;
	s14 =	simm.s32 $0xB880  }
0xfe: {  	[hbm4b:s0+s4] =	stream.indirect_vreg.scatter [tilespmem:s14], [sflag:$0x4], $0x80, v2, vm0, $0xb8;
	[tilespmem:$0x12880] =	vst v63  }
0xff: {  	s1 =	sadd.s32 $0x500, s28;
	s13 =	simm.s32 $0xC080  }
0x100: {  	[hbm4b:s1+s4] =	stream.indirect_vreg.scatter [tilespmem:s13], [sflag:$0x4], $0x80, v2, vm0, $0xb8;
	[tilespmem:$0x12880] =	vst v63  }
0x101: {  	s2 =	sadd.s32 $0x600, s28;
	s12 =	simm.s32 $0xC880  }
0x102: {  	[hbm4b:s2+s4] =	stream.indirect_vreg.scatter [tilespmem:s12], [sflag:$0x4], $0x80, v2, vm0, $0xb8;
	[tilespmem:$0x12880] =	vst v63  }
0x103: {  	s3 =	sadd.s32 $0x700, s28;
	s11 =	simm.s32 $0xD080  }
0x104: {  	[hbm4b:s3+s4] =	stream.indirect_vreg.scatter [tilespmem:s11], [sflag:$0x4], $0x80, v2, vm0, $0xb8;
	[tilespmem:$0x12880] =	vst v63  }
0x105: {  	s5 =	sadd.s32 $0x800, s28;
	s10 =	simm.s32 $0xD880  }
0x106: {  	[hbm4b:s5+s4] =	stream.indirect_vreg.scatter [tilespmem:s10], [sflag:$0x4], $0x80, v2, vm0, $0xb8;
	[tilespmem:$0x12880] =	vst v63  }
0x107: {  	s6 =	sadd.s32 $0x900, s28;
	s9 =	simm.s32 $0xE080  }
0x108: {  	[hbm4b:s6+s4] =	stream.indirect_vreg.scatter [tilespmem:s9], [sflag:$0x4], $0x80, v2, vm0, $0xb8;
	[tilespmem:$0x12880] =	vst v63  }
0x109: {  	s7 =	sadd.s32 $0xA00, s28;
	s8 =	simm.s32 $0xE880  }
0x10a: {  	[hbm4b:s7+s4] =	stream.indirect_vreg.scatter [tilespmem:s8], [sflag:$0x4], $0x80, v2, vm0, $0xb8;
	[tilespmem:$0x12880] =	vst v63  }
0x10b: {  	s23 =	sadd.s32 $0xB00, s28;
	s7 =	simm.s32 $0xF080  }
0x10c: {  	[hbm4b:s23+s4] =	stream.indirect_vreg.scatter [tilespmem:s7], [sflag:$0x4], $0x80, v2, vm0, $0xb8;
	[tilespmem:$0x12880] =	vst v63  }
0x10d: {  	s0 =	sadd.s32 $0xC00, s28;
	s6 =	simm.s32 $0xF880  }
0x10e: {  	[hbm4b:s0+s4] =	stream.indirect_vreg.scatter [tilespmem:s6], [sflag:$0x4], $0x80, v2, vm0, $0xb8;
	[tilespmem:$0x12880] =	vst v63  }
0x10f: {  	s1 =	sadd.s32 $0xD00, s28;
	s5 =	simm.s32 $0x10080  }
0x110: {  	[hbm4b:s1+s4] =	stream.indirect_vreg.scatter [tilespmem:s5], [sflag:$0x4], $0x80, v2, vm0, $0xb8;
	[tilespmem:$0x12880] =	vst v63  }
0x111: {  	s2 =	sadd.s32 $0xE00, s28;
	s3 =	simm.s32 $0x10880  }
0x112: {  	[hbm4b:s2+s4] =	stream.indirect_vreg.scatter [tilespmem:s3], [sflag:$0x4], $0x80, v2, vm0, $0xb8;
	[tilespmem:$0x12880] =	vst v63  }
0x113: {  	s23 =	sadd.s32 $0xF00, s28;
	s2 =	simm.s32 $0x11080  }
0x114: {  	[hbm4b:s23+s4] =	stream.indirect_vreg.scatter [tilespmem:s2], [sflag:$0x4], $0x80, v2, vm0, $0xb8;
	[tilespmem:$0x12880] =	vst v63  }
0x115: {  	s0 =	sadd.s32 $0x1000, s28;
	s1 =	simm.s32 $0x11880  }
0x116: {  	[hbm4b:s0+s4] =	stream.indirect_vreg.scatter [tilespmem:s1], [sflag:$0x4], $0x80, v2, vm0, $0xb8;
	[tilespmem:$0x12880] =	vst v63  }
0x117: {  	s23 =	sadd.s32 $0x1100, s28;
	s0 =	simm.s32 $0x12080  }
0x118: {  	[hbm4b:s23+s4] =	stream.indirect_vreg.scatter [tilespmem:s0], [sflag:$0x4], $0x80, v2, vm0, $0xb8;
	[tilespmem:$0x12880] =	vst v63  }
0x119: {  	s23 =	simm.s32 $0x4  }
0x11a: {  	_ =	swait.ge [sflag:s23], $0x9000  }
0x11b: {  	[sflag:s23] =	ssyncset.done $0x0  }
0x11c: {  	[sflag:s23] =	ssyncadd.s32 $0xFFFF7000  }
0x11d: {  	v2 =	vld.msk [tilespmem:s15+$0x0], $0xff;
	_ =	sdelay $0x4  }
0x11e: {  	v3 =	vshrl.u32 v2, $0x3  }
0x11f: {  	v3 =	vmul.u32 $0x480, v3  }
0x120: {  	v2 =	vand.u32 $0x7, v2  }
0x121: {  	v2 =	vor.u32 v2, v3  }
0x122: {  	v2 =	vperm.xlane v2, v0;
	_ =	sdelay $0x1  }
0x123: {  	v2 =	vadd.s32 v1, v2;
	_ =	sdelay $0x4  }
0x124: {  	[tilespmem:s22], [sflag:$0x2] =	stream.indirect_vreg.gather [hbm4b:s29+s4], $0x80, v2, vm0, $0xb8;
	[tilespmem:$0x12880] =	vst v63  }
0x125: {  	s18 =	sadd.s32 $0x100, s29  }
0x126: {  	[tilespmem:s21], [sflag:$0x2] =	stream.indirect_vreg.gather [hbm4b:s18+s4], $0x80, v2, vm0, $0xb8;
	[tilespmem:$0x12880] =	vst v63  }
0x127: {  	s22 =	sadd.s32 $0x200, s29  }
0x128: {  	[tilespmem:s20], [sflag:$0x2] =	stream.indirect_vreg.gather [hbm4b:s22+s4], $0x80, v2, vm0, $0xb8;
	[tilespmem:$0x12880] =	vst v63  }
0x129: {  	s23 =	sadd.s32 $0x300, s29  }
0x12a: {  	[tilespmem:s19], [sflag:$0x2] =	stream.indirect_vreg.gather [hbm4b:s23+s4], $0x80, v2, vm0, $0xb8;
	[tilespmem:$0x12880] =	vst v63  }
0x12b: {  	s18 =	sadd.s32 $0x400, s29  }
0x12c: {  	[tilespmem:s14], [sflag:$0x2] =	stream.indirect_vreg.gather [hbm4b:s18+s4], $0x80, v2, vm0, $0xb8;
	[tilespmem:$0x12880] =	vst v63  }
0x12d: {  	s19 =	sadd.s32 $0x500, s29  }
0x12e: {  	[tilespmem:s13], [sflag:$0x2] =	stream.indirect_vreg.gather [hbm4b:s19+s4], $0x80, v2, vm0, $0xb8;
	[tilespmem:$0x12880] =	vst v63  }
0x12f: {  	s20 =	sadd.s32 $0x600, s29  }
0x130: {  	[tilespmem:s12], [sflag:$0x2] =	stream.indirect_vreg.gather [hbm4b:s20+s4], $0x80, v2, vm0, $0xb8;
	[tilespmem:$0x12880] =	vst v63  }
0x131: {  	s12 =	sadd.s32 $0x700, s29  }
0x132: {  	[tilespmem:s11], [sflag:$0x2] =	stream.indirect_vreg.gather [hbm4b:s12+s4], $0x80, v2, vm0, $0xb8;
	[tilespmem:$0x12880] =	vst v63  }
0x133: {  	s13 =	sadd.s32 $0x800, s29  }
0x134: {  	[tilespmem:s10], [sflag:$0x2] =	stream.indirect_vreg.gather [hbm4b:s13+s4], $0x80, v2, vm0, $0xb8;
	[tilespmem:$0x12880] =	vst v63  }
0x135: {  	s18 =	sadd.s32 $0x900, s29  }
0x136: {  	[tilespmem:s9], [sflag:$0x2] =	stream.indirect_vreg.gather [hbm4b:s18+s4], $0x80, v2, vm0, $0xb8;
	[tilespmem:$0x12880] =	vst v63  }
0x137: {  	s20 =	sadd.s32 $0xA00, s29  }
0x138: {  	[tilespmem:s8], [sflag:$0x2] =	stream.indirect_vreg.gather [hbm4b:s20+s4], $0x80, v2, vm0, $0xb8;
	[tilespmem:$0x12880] =	vst v63  }
0x139: {  	s8 =	sadd.s32 $0xB00, s29  }
0x13a: {  	[tilespmem:s7], [sflag:$0x2] =	stream.indirect_vreg.gather [hbm4b:s8+s4], $0x80, v2, vm0, $0xb8;
	[tilespmem:$0x12880] =	vst v63  }
0x13b: {  	s9 =	sadd.s32 $0xC00, s29  }
0x13c: {  	[tilespmem:s6], [sflag:$0x2] =	stream.indirect_vreg.gather [hbm4b:s9+s4], $0x80, v2, vm0, $0xb8;
	[tilespmem:$0x12880] =	vst v63  }
0x13d: {  	s18 =	sadd.s32 $0xD00, s29  }
0x13e: {  	[tilespmem:s5], [sflag:$0x2] =	stream.indirect_vreg.gather [hbm4b:s18+s4], $0x80, v2, vm0, $0xb8;
	[tilespmem:$0x12880] =	vst v63  }
0x13f: {  	s20 =	sadd.s32 $0xE00, s29  }
0x140: {  	[tilespmem:s3], [sflag:$0x2] =	stream.indirect_vreg.gather [hbm4b:s20+s4], $0x80, v2, vm0, $0xb8;
	[tilespmem:$0x12880] =	vst v63  }
0x141: {  	s3 =	sadd.s32 $0xF00, s29  }
0x142: {  	[tilespmem:s2], [sflag:$0x2] =	stream.indirect_vreg.gather [hbm4b:s3+s4], $0x80, v2, vm0, $0xb8;
	[tilespmem:$0x12880] =	vst v63  }
0x143: {  	s5 =	sadd.s32 $0x1000, s29  }
0x144: {  	[tilespmem:s1], [sflag:$0x2] =	stream.indirect_vreg.gather [hbm4b:s5+s4], $0x80, v2, vm0, $0xb8;
	[tilespmem:$0x12880] =	vst v63  }
0x145: {  	s18 =	sadd.s32 $0x1100, s29;
	s20 =	simm.s32 $0x1  }
0x146: {  	[tilespmem:s0], [sflag:$0x2] =	stream.indirect_vreg.gather [hbm4b:s18+s4], $0x80, v2, vm0, $0xb8;
	[tilespmem:$0x12880] =	vst v63  }
0x147: {  	s1 =	simm.s32 $0x1;
	_ =	swait.ge [sflag:s20], $0x9000  }
0x148: {  	s2 =	simm.s32 $0x1;
	[sflag:s1] =	ssyncset.done $0x0  }
0x149: {  	[sflag:s2] =	ssyncadd.s32 $0xFFFF7000  }
0x14a: {  	v2 =	vld.msk [tilespmem:s16+$0x0], $0xff;
	_ =	sdelay $0x4  }
0x14b: {  	v3 =	vshrl.u32 v2, $0x3  }
0x14c: {  	v3 =	vmul.u32 $0x480, v3  }
0x14d: {  	v2 =	vand.u32 $0x7, v2  }
0x14e: {  	v2 =	vor.u32 v2, v3  }
0x14f: {  	v2 =	vperm.xlane v2, v0;
	_ =	sdelay $0x1  }
0x150: {  	v2 =	vadd.s32 v1, v2;
	_ =	sdelay $0x3  }
0x151: {  	s15 =	simm.s32 $0x880  }
0x152: {  	[hbm4b:s30+s4] =	stream.indirect_vreg.scatter [tilespmem:s15], [sflag:$0x3], $0x80, v2, vm0, $0xb8;
	[tilespmem:$0x12880] =	vst v63  }
0x153: {  	s18 =	sadd.s32 $0x100, s30;
	s20 =	simm.s32 $0x1080  }
0x154: {  	[hbm4b:s18+s4] =	stream.indirect_vreg.scatter [tilespmem:s20], [sflag:$0x3], $0x80, v2, vm0, $0xb8;
	[tilespmem:$0x12880] =	vst v63  }
0x155: {  	s1 =	sadd.s32 $0x200, s30;
	s2 =	simm.s32 $0x1880  }
0x156: {  	[hbm4b:s1+s4] =	stream.indirect_vreg.scatter [tilespmem:s2], [sflag:$0x3], $0x80, v2, vm0, $0xb8;
	[tilespmem:$0x12880] =	vst v63  }
0x157: {  	s18 =	sadd.s32 $0x300, s30;
	s20 =	simm.s32 $0x2080  }
0x158: {  	[hbm4b:s18+s4] =	stream.indirect_vreg.scatter [tilespmem:s20], [sflag:$0x3], $0x80, v2, vm0, $0xb8;
	[tilespmem:$0x12880] =	vst v63  }
0x159: {  	s1 =	sadd.s32 $0x400, s30;
	s2 =	simm.s32 $0x2880  }
0x15a: {  	[hbm4b:s1+s4] =	stream.indirect_vreg.scatter [tilespmem:s2], [sflag:$0x3], $0x80, v2, vm0, $0xb8;
	[tilespmem:$0x12880] =	vst v63  }
0x15b: {  	s18 =	sadd.s32 $0x500, s30;
	s20 =	simm.s32 $0x3080  }
0x15c: {  	[hbm4b:s18+s4] =	stream.indirect_vreg.scatter [tilespmem:s20], [sflag:$0x3], $0x80, v2, vm0, $0xb8;
	[tilespmem:$0x12880] =	vst v63  }
0x15d: {  	s1 =	sadd.s32 $0x600, s30;
	s2 =	simm.s32 $0x3880  }
0x15e: {  	[hbm4b:s1+s4] =	stream.indirect_vreg.scatter [tilespmem:s2], [sflag:$0x3], $0x80, v2, vm0, $0xb8;
	[tilespmem:$0x12880] =	vst v63  }
0x15f: {  	s18 =	sadd.s32 $0x700, s30;
	s20 =	simm.s32 $0x4080  }
0x160: {  	[hbm4b:s18+s4] =	stream.indirect_vreg.scatter [tilespmem:s20], [sflag:$0x3], $0x80, v2, vm0, $0xb8;
	[tilespmem:$0x12880] =	vst v63  }
0x161: {  	s1 =	sadd.s32 $0x800, s30;
	s2 =	simm.s32 $0x4880  }
0x162: {  	[hbm4b:s1+s4] =	stream.indirect_vreg.scatter [tilespmem:s2], [sflag:$0x3], $0x80, v2, vm0, $0xb8;
	[tilespmem:$0x12880] =	vst v63  }
0x163: {  	s18 =	sadd.s32 $0x900, s30;
	s20 =	simm.s32 $0x5080  }
0x164: {  	[hbm4b:s18+s4] =	stream.indirect_vreg.scatter [tilespmem:s20], [sflag:$0x3], $0x80, v2, vm0, $0xb8;
	[tilespmem:$0x12880] =	vst v63  }
0x165: {  	s1 =	sadd.s32 $0xA00, s30;
	s2 =	simm.s32 $0x5880  }
0x166: {  	[hbm4b:s1+s4] =	stream.indirect_vreg.scatter [tilespmem:s2], [sflag:$0x3], $0x80, v2, vm0, $0xb8;
	[tilespmem:$0x12880] =	vst v63  }
0x167: {  	s18 =	sadd.s32 $0xB00, s30;
	s20 =	simm.s32 $0x6080  }
0x168: {  	[hbm4b:s18+s4] =	stream.indirect_vreg.scatter [tilespmem:s20], [sflag:$0x3], $0x80, v2, vm0, $0xb8;
	[tilespmem:$0x12880] =	vst v63  }
0x169: {  	s18 =	sadd.s32 $0xC00, s30;
	s20 =	simm.s32 $0x6880  }
0x16a: {  	[hbm4b:s18+s4] =	stream.indirect_vreg.scatter [tilespmem:s20], [sflag:$0x3], $0x80, v2, vm0, $0xb8;
	[tilespmem:$0x12880] =	vst v63  }
0x16b: {  	s18 =	sadd.s32 $0xD00, s30;
	s20 =	simm.s32 $0x7080  }
0x16c: {  	[hbm4b:s18+s4] =	stream.indirect_vreg.scatter [tilespmem:s20], [sflag:$0x3], $0x80, v2, vm0, $0xb8;
	[tilespmem:$0x12880] =	vst v63  }
0x16d: {  	s18 =	sadd.s32 $0xE00, s30;
	s20 =	simm.s32 $0x7880  }
0x16e: {  	[hbm4b:s18+s4] =	stream.indirect_vreg.scatter [tilespmem:s20], [sflag:$0x3], $0x80, v2, vm0, $0xb8;
	[tilespmem:$0x12880] =	vst v63  }
0x16f: {  	s18 =	sadd.s32 $0xF00, s30;
	s20 =	simm.s32 $0x8080  }
0x170: {  	[hbm4b:s18+s4] =	stream.indirect_vreg.scatter [tilespmem:s20], [sflag:$0x3], $0x80, v2, vm0, $0xb8;
	[tilespmem:$0x12880] =	vst v63  }
0x171: {  	s18 =	sadd.s32 $0x1000, s30;
	s20 =	simm.s32 $0x8880  }
0x172: {  	[hbm4b:s18+s4] =	stream.indirect_vreg.scatter [tilespmem:s20], [sflag:$0x3], $0x80, v2, vm0, $0xb8;
	[tilespmem:$0x12880] =	vst v63  }
0x173: {  	s0 =	simm.s32 $0x3;
	s1 =	sadd.s32 $0x1100, s30;
	s18 =	simm.s32 $0x9080  }
0x174: {  	[hbm4b:s1+s4] =	stream.indirect_vreg.scatter [tilespmem:s18], [sflag:$0x3], $0x80, v2, vm0, $0xb8;
	[tilespmem:$0x12880] =	vst v63  }
0x175: {  	_ =	swait.ge [sflag:s0], $0x9000  }
0x176: {  	p0 =	seq.s32 s17, $0x1E0;
	[sflag:s0] =	ssyncset.done $0x0  }
0x177: {  	s15 =	sshra.s32 @!p0 s17, $0x2;
	[sflag:s0] =	ssyncadd.s32 $0xFFFF7000  }
0x178: {  	v2 =	vld.msk @!p0 [tilespmem:s15+$0x8], $0xff;
	_ =	sdelay $0x4  }
0x179: {  	v3 =	vshrl.u32 @!p0 v2, $0x3  }
0x17a: {  	v3 =	vmul.u32 @!p0 $0x480, v3  }
0x17b: {  	v4 =	vlaneseq.u32 @!p0;
	v2 =	vand.u32 @!p0 $0x7, v2  }
0x17c: {  	v2 =	vor.u32 @!p0 v2, v3;
	v3 =	vand.u32 @!p0 $0x7, v4;
	v4 =	vshrl.u32 @!p0 v4, $0x3  }
0x17d: {  	v2 =	vperm.xlane @!p0 v2, v3;
	v3 =	vmul.u32 @!p0 $0x8, v4;
	_ =	sdelay $0x1  }
0x17e: {  	v2 =	vadd.s32 @!p0 v3, v2;
	_ =	sdelay $0x3  }
0x17f: {  	vm1 =	vmmov @!p0 $0xffff;
	s18 =	simm.s32 @!p0 $0x880;
	s15 =	simm.s32 @!p0 $0x0;
	s0 =	rddreg [dreg:$0x1]  }
0x180: {  	[tilespmem:s18], [sflag:$0x1] =	stream.indirect_vreg.gather @!p0 [hbm4b:s0+s15], $0x80, v2, vm1, $0xb8;
	[tilespmem:$0x12880] =	vst v63  }
0x181: {  	s0 =	sld [smem:$0x7FD];
	_ =	sdelay $0x1  }
0x182: {  	s18 =	simm.s32 @!p0 $0x1080  }
0x183: {  	[tilespmem:s18], [sflag:$0x1] =	stream.indirect_vreg.gather @!p0 [hbm4b:s0+s15], $0x80, v2, vm1, $0xb8;
	[tilespmem:$0x12880] =	vst v63  }
0x184: {  	s20 =	rddreg [dreg:$0x17];
	s18 =	simm.s32 @!p0 $0x1880  }
0x185: {  	[tilespmem:s18], [sflag:$0x1] =	stream.indirect_vreg.gather @!p0 [hbm4b:s20+s15], $0x80, v2, vm1, $0xb8;
	[tilespmem:$0x12880] =	vst v63  }
0x186: {  	s18 =	simm.s32 @!p0 $0x2080;
	s20 =	rddreg [dreg:$0x18]  }
0x187: {  	[tilespmem:s18], [sflag:$0x1] =	stream.indirect_vreg.gather @!p0 [hbm4b:s20+s15], $0x80, v2, vm1, $0xb8;
	[tilespmem:$0x12880] =	vst v63  }
0x188: {  	s18 =	simm.s32 @!p0 $0x2880;
	s20 =	rddreg [dreg:$0x19]  }
0x189: {  	[tilespmem:s18], [sflag:$0x1] =	stream.indirect_vreg.gather @!p0 [hbm4b:s20+s15], $0x80, v2, vm1, $0xb8;
	[tilespmem:$0x12880] =	vst v63  }
0x18a: {  	s1 =	rddreg [dreg:$0x1a];
	s18 =	simm.s32 @!p0 $0x3080  }
0x18b: {  	[tilespmem:s18], [sflag:$0x1] =	stream.indirect_vreg.gather @!p0 [hbm4b:s1+s15], $0x80, v2, vm1, $0xb8;
	[tilespmem:$0x12880] =	vst v63  }
0x18c: {  	s18 =	simm.s32 @!p0 $0x3880;
	s1 =	rddreg [dreg:$0x1b]  }
0x18d: {  	[tilespmem:s18], [sflag:$0x1] =	stream.indirect_vreg.gather @!p0 [hbm4b:s1+s15], $0x80, v2, vm1, $0xb8;
	[tilespmem:$0x12880] =	vst v63  }
0x18e: {  	s18 =	simm.s32 @!p0 $0x4080;
	s1 =	rddreg [dreg:$0x1c]  }
0x18f: {  	[tilespmem:s18], [sflag:$0x1] =	stream.indirect_vreg.gather @!p0 [hbm4b:s1+s15], $0x80, v2, vm1, $0xb8;
	[tilespmem:$0x12880] =	vst v63  }
0x190: {  	s18 =	simm.s32 @!p0 $0x4880;
	s1 =	rddreg [dreg:$0x1d]  }
0x191: {  	[tilespmem:s18], [sflag:$0x1] =	stream.indirect_vreg.gather @!p0 [hbm4b:s1+s15], $0x80, v2, vm1, $0xb8;
	[tilespmem:$0x12880] =	vst v63  }
0x192: {  	s0 =	rddreg [dreg:$0x1e];
	s18 =	simm.s32 @!p0 $0x5080  }
0x193: {  	[tilespmem:s18], [sflag:$0x1] =	stream.indirect_vreg.gather @!p0 [hbm4b:s0+s15], $0x80, v2, vm1, $0xb8;
	[tilespmem:$0x12880] =	vst v63  }
0x194: {  	s18 =	simm.s32 @!p0 $0x5880;
	s0 =	rddreg [dreg:$0x1f]  }
0x195: {  	[tilespmem:s18], [sflag:$0x1] =	stream.indirect_vreg.gather @!p0 [hbm4b:s0+s15], $0x80, v2, vm1, $0xb8;
	[tilespmem:$0x12880] =	vst v63  }
0x196: {  	s0 =	sld [smem:$0x7F5];
	_ =	sdelay $0x1  }
0x197: {  	s18 =	simm.s32 @!p0 $0x6080  }
0x198: {  	[tilespmem:s18], [sflag:$0x1] =	stream.indirect_vreg.gather @!p0 [hbm4b:s0+s15], $0x80, v2, vm1, $0xb8;
	[tilespmem:$0x12880] =	vst v63  }
0x199: {  	s0 =	sld [smem:$0x7F6];
	_ =	sdelay $0x1  }
0x19a: {  	s18 =	simm.s32 @!p0 $0x6880  }
0x19b: {  	[tilespmem:s18], [sflag:$0x1] =	stream.indirect_vreg.gather @!p0 [hbm4b:s0+s15], $0x80, v2, vm1, $0xb8;
	[tilespmem:$0x12880] =	vst v63  }
0x19c: {  	s0 =	sld [smem:$0x7F7];
	_ =	sdelay $0x1  }
0x19d: {  	s18 =	simm.s32 @!p0 $0x7080  }
0x19e: {  	[tilespmem:s18], [sflag:$0x1] =	stream.indirect_vreg.gather @!p0 [hbm4b:s0+s15], $0x80, v2, vm1, $0xb8;
	[tilespmem:$0x12880] =	vst v63  }
0x19f: {  	s0 =	sld [smem:$0x7F8];
	_ =	sdelay $0x1  }
0x1a0: {  	s18 =	simm.s32 @!p0 $0x7880  }
0x1a1: {  	[tilespmem:s18], [sflag:$0x1] =	stream.indirect_vreg.gather @!p0 [hbm4b:s0+s15], $0x80, v2, vm1, $0xb8;
	[tilespmem:$0x12880] =	vst v63  }
0x1a2: {  	s0 =	sld [smem:$0x7F9];
	_ =	sdelay $0x1  }
0x1a3: {  	s18 =	simm.s32 @!p0 $0x8080  }
0x1a4: {  	[tilespmem:s18], [sflag:$0x1] =	stream.indirect_vreg.gather @!p0 [hbm4b:s0+s15], $0x80, v2, vm1, $0xb8;
	[tilespmem:$0x12880] =	vst v63  }
0x1a5: {  	s0 =	sld [smem:$0x7FA];
	_ =	sdelay $0x1  }
0x1a6: {  	s18 =	simm.s32 @!p0 $0x8880  }
0x1a7: {  	[tilespmem:s18], [sflag:$0x1] =	stream.indirect_vreg.gather @!p0 [hbm4b:s0+s15], $0x80, v2, vm1, $0xb8;
	[tilespmem:$0x12880] =	vst v63  }
0x1a8: {  	s0 =	sld [smem:$0x7FB];
	_ =	sdelay $0x1  }
0x1a9: {  	s18 =	simm.s32 @!p0 $0x9080  }
0x1aa: {  	[tilespmem:s18], [sflag:$0x1] =	stream.indirect_vreg.gather @!p0 [hbm4b:s0+s15], $0x80, v2, vm1, $0xb8;
	[tilespmem:$0x12880] =	vst v63  }
0x1ab: {  	_ =	swait.ge [sflag:s25], $0x9000  }
0x1ac: {  	[sflag:s25] =	ssyncset.done $0x0  }
0x1ad: {  	[sflag:s25] =	ssyncadd.s32 $0xFFFF7000  }
0x1ae: {  	v2 =	vld.msk [tilespmem:s16+$0x0], $0xff;
	_ =	sdelay $0x4  }
0x1af: {  	v3 =	vshrl.u32 v2, $0x3  }
0x1b0: {  	v3 =	vmul.u32 $0x480, v3  }
0x1b1: {  	v2 =	vand.u32 $0x7, v2  }
0x1b2: {  	v2 =	vor.u32 v2, v3  }
0x1b3: {  	v2 =	vperm.xlane v2, v0;
	_ =	sdelay $0x1  }
0x1b4: {  	v2 =	vadd.s32 v1, v2;
	_ =	sdelay $0x3  }
0x1b5: {  	s20 =	simm.s32 $0x9880  }
0x1b6: {  	[hbm4b:s31+s4] =	stream.indirect_vreg.scatter [tilespmem:s20], [sflag:$0x4], $0x80, v2, vm0, $0xb8;
	[tilespmem:$0x12880] =	vst v63  }
0x1b7: {  	s1 =	simm.s32 $0xA080;
	s0 =	sadd.s32 $0x100, s31  }
0x1b8: {  	[hbm4b:s0+s4] =	stream.indirect_vreg.scatter [tilespmem:s1], [sflag:$0x4], $0x80, v2, vm0, $0xb8;
	[tilespmem:$0x12880] =	vst v63  }
0x1b9: {  	s18 =	sadd.s32 $0x200, s31;
	s20 =	simm.s32 $0xA880  }
0x1ba: {  	[hbm4b:s18+s4] =	stream.indirect_vreg.scatter [tilespmem:s20], [sflag:$0x4], $0x80, v2, vm0, $0xb8;
	[tilespmem:$0x12880] =	vst v63  }
0x1bb: {  	s23 =	simm.s32 $0xB080;
	s1 =	sadd.s32 $0x300, s31  }
0x1bc: {  	[hbm4b:s1+s4] =	stream.indirect_vreg.scatter [tilespmem:s23], [sflag:$0x4], $0x80, v2, vm0, $0xb8;
	[tilespmem:$0x12880] =	vst v63  }
0x1bd: {  	s22 =	simm.s32 $0xB880;
	s18 =	sadd.s32 $0x400, s31  }
0x1be: {  	[hbm4b:s18+s4] =	stream.indirect_vreg.scatter [tilespmem:s22], [sflag:$0x4], $0x80, v2, vm0, $0xb8;
	[tilespmem:$0x12880] =	vst v63  }
0x1bf: {  	s21 =	simm.s32 $0xC080;
	s20 =	sadd.s32 $0x500, s31  }
0x1c0: {  	[hbm4b:s20+s4] =	stream.indirect_vreg.scatter [tilespmem:s21], [sflag:$0x4], $0x80, v2, vm0, $0xb8;
	[tilespmem:$0x12880] =	vst v63  }
0x1c1: {  	s19 =	simm.s32 $0xC880;
	s22 =	sadd.s32 $0x600, s31  }
0x1c2: {  	[hbm4b:s22+s4] =	stream.indirect_vreg.scatter [tilespmem:s19], [sflag:$0x4], $0x80, v2, vm0, $0xb8;
	[tilespmem:$0x12880] =	vst v63  }
0x1c3: {  	s14 =	simm.s32 $0xD080;
	s23 =	sadd.s32 $0x700, s31  }
0x1c4: {  	[hbm4b:s23+s4] =	stream.indirect_vreg.scatter [tilespmem:s14], [sflag:$0x4], $0x80, v2, vm0, $0xb8;
	[tilespmem:$0x12880] =	vst v63  }
0x1c5: {  	s13 =	simm.s32 $0xD880;
	s0 =	sadd.s32 $0x800, s31  }
0x1c6: {  	[hbm4b:s0+s4] =	stream.indirect_vreg.scatter [tilespmem:s13], [sflag:$0x4], $0x80, v2, vm0, $0xb8;
	[tilespmem:$0x12880] =	vst v63  }
0x1c7: {  	s12 =	simm.s32 $0xE080;
	s1 =	sadd.s32 $0x900, s31  }
0x1c8: {  	[hbm4b:s1+s4] =	stream.indirect_vreg.scatter [tilespmem:s12], [sflag:$0x4], $0x80, v2, vm0, $0xb8;
	[tilespmem:$0x12880] =	vst v63  }
0x1c9: {  	s11 =	simm.s32 $0xE880;
	s13 =	sadd.s32 $0xA00, s31  }
0x1ca: {  	[hbm4b:s13+s4] =	stream.indirect_vreg.scatter [tilespmem:s11], [sflag:$0x4], $0x80, v2, vm0, $0xb8;
	[tilespmem:$0x12880] =	vst v63  }
0x1cb: {  	s10 =	simm.s32 $0xF080;
	s14 =	sadd.s32 $0xB00, s31  }
0x1cc: {  	[hbm4b:s14+s4] =	stream.indirect_vreg.scatter [tilespmem:s10], [sflag:$0x4], $0x80, v2, vm0, $0xb8;
	[tilespmem:$0x12880] =	vst v63  }
0x1cd: {  	s9 =	simm.s32 $0xF880;
	s18 =	sadd.s32 $0xC00, s31  }
0x1ce: {  	[hbm4b:s18+s4] =	stream.indirect_vreg.scatter [tilespmem:s9], [sflag:$0x4], $0x80, v2, vm0, $0xb8;
	[tilespmem:$0x12880] =	vst v63  }
0x1cf: {  	s8 =	simm.s32 $0x10080;
	s19 =	sadd.s32 $0xD00, s31  }
0x1d0: {  	[hbm4b:s19+s4] =	stream.indirect_vreg.scatter [tilespmem:s8], [sflag:$0x4], $0x80, v2, vm0, $0xb8;
	[tilespmem:$0x12880] =	vst v63  }
0x1d1: {  	s7 =	simm.s32 $0x10880;
	s17 =	sadd.s32 $0x20, s17;
	s20 =	sadd.s32 $0xE00, s31  }
0x1d2: {  	[hbm4b:s20+s4] =	stream.indirect_vreg.scatter [tilespmem:s7], [sflag:$0x4], $0x80, v2, vm0, $0xb8;
	[tilespmem:$0x12880] =	vst v63  }
0x1d3: {  	s6 =	simm.s32 $0x11080;
	p0 =	sne.s32 s17, $0x200;
	s21 =	sadd.s32 $0xF00, s31  }
0x1d4: {  	[hbm4b:s21+s4] =	stream.indirect_vreg.scatter [tilespmem:s6], [sflag:$0x4], $0x80, v2, vm0, $0xb8;
	[tilespmem:$0x12880] =	vst v63  }
.Ltmp0:
0x1d5: {  	_ = 	snop;
	(pc) =	sbr.rel @p0 .LBB2_2-.Ltmp0, $4  }
0x1d6: {  	s3 =	simm.s32 $0x12080;
	s5 =	simm.s32 $0x11880;
	s22 =	sadd.s32 $0x1000, s31  }
0x1d7: {  	[hbm4b:s22+s4] =	stream.indirect_vreg.scatter [tilespmem:s5], [sflag:$0x4], $0x80, v2, vm0, $0xb8;
	[tilespmem:$0x12880] =	vst v63  }
0x1d8: {  	s2 =	simm.s32 $0x1;
	s16 =	sadd.s32 $0x80, s16;
	s23 =	sadd.s32 $0x1100, s31  }
0x1d9: {  	[hbm4b:s23+s4] =	stream.indirect_vreg.scatter [tilespmem:s3], [sflag:$0x4], $0x80, v2, vm0, $0xb8;
	[tilespmem:$0x12880] =	vst v63  }
0x1da: {  	s1 =	simm.s32 $0x4  }
0x1db: {  	_ =	swait.ge [sflag:s1], $0x9000  }
0x1dc: {  	s0 =	sld [smem:$0x7F4]  }
0x1dd: {  	s15 =	sld [smem:$0x7FC];
	_ =	sdelay $0x1  }
0x1de: {  	s0 =	sadd.s32 $0x1, s0  }
0x1df: {  	p0 =	sne.s32 s0, s15  }
.Ltmp1:
0x1e0: {  	_ = 	snop;
	(pc) =	sbr.rel @p0 .LBB2_1-.Ltmp1, $4  }
0x1e1: {  	_ = 	snop  }
0x1e2: {  	[sflag:s1] =	ssyncset.done $0x0  }
0x1e3: {  	s3 =	sld [smem:$0x7FD];
	[sflag:s1] =	ssyncadd.s32 $0xFFFF7000  }
0x1e4: {  	s7 =	rddreg [dreg:$0x1]  }
0x1e5: {  	_ =	sfence.sel $0x180000  }
0x1e6: {  	[bflag:$0x0] =	sbarrier.arrive $0xFFFF  }
0x1e7: {  	_ =	strace $0x9000004A  }
0x1e8: {  	s0 =	stileid.u32;
	[bflag:$0x2] =	sbarrier.arrive $0xFFFF  }
0x1e9: {  	p0 =	sne.s32 s0, $0x0;
	s0 =	rddreg [dreg:$0x3]  }
0x1ea: {  	s0 =	sadd.s32 @!p0 $0x100000, s0  }
0x1eb: {  	[sflag:s0] =	ssyncadd.tile.s32 @!p0 $0x1;
	_ =	shalt  }
.Lfunc_end2:
_tile_overlayer_lowered:
.L_overlay_start_2:
0x1ec: {  	(tag) =	ssettag $0x2  }
0x1ed: {  	s0 =	rddreg [dreg:$0x0];
	s2 =	stileid.u32  }
0x1ee: {  	s1 =	rddreg [dreg:$0x1];
	p0 =	sne.s32 s2, $0x0  }
0x1ef: {  	s3 =	rddreg [dreg:$0x2];
	[bflag:$0x3] =	sbarrier.arrive $0xFFFF;
	s2 =	simm.s32 @!p0 $0x1C05  }
0x1f0: {  	[timem:s3], [sflag:s2] =	dma.local @!p0 [hbm:s0], s1  }
0x1f1: {  	s0 =	simm.s32 @!p0 $0x5  }
0x1f2: {  	_ =	swait.ge @!p0 [sflag:s0], s1  }
0x1f3: {  	s1 =	ssub.s32 @!p0 $0x0, s1;
	[sflag:s0] =	ssyncset.done @!p0 $0x0  }
0x1f4: {  	[sflag:s0] =	ssyncadd.s32 @!p0 s1  }
0x1f5: {  	[bflag:$0x3] =	sbarrier.arrive $0xFFFF  }
0x1f6: {  	_ =	shalt  }

</sc_bundles>
